<compile_context>
chip_gen: v7x
topology: tpu7x:2x2x1
jax: 0.10.2.dev20260603
libtpu: 0.0.44.dev20260713+nightly
codegen_flags: <defaults>
</compile_context>

<pallas_src>
import jax
import jax.numpy as jnp
from jax import lax
from jax.experimental import pallas as pl
from jax.experimental.pallas import tpu as pltpu
from jax.experimental.pallas import tpu_sc as plsc

N = 100000
E = 6400000
EPS = 1e-06
LAMB = 1.0
X0 = 0.05

NSUB = 16
NCORE = 2
NTILE = NSUB * NCORE
C = 4000
CHUNKS = E // C
NCH = CHUNKS // NTILE
STRIPE = 6272
NPAD = NSUB * STRIPE
F32 = jnp.float32
I32 = jnp.int32


def _step_body(acc_in, edge_hbm, ea_hbm, acc_out,
               sig_sh, den_sh, num_sh,
               n0_v, n1_v, d0_v, d1_v, zero_v,
               src0, src1, dst0, dst1,
               eav0, eav1, xj0, xj1, xi0, xi1,
               w0, w1, wx0, wx1,
               sl0, sl1, sg0, sg1):
    src_v = (src0, src1)
    dst_v = (dst0, dst1)
    ea_v = (eav0, eav1)
    xj_v = (xj0, xj1)
    xi_v = (xi0, xi1)
    w_v = (w0, w1)
    wx_v = (wx0, wx1)
    sem_l = (sl0, sl1)
    sem_g = (sg0, sg1)
    c = lax.axis_index("c")
    s = lax.axis_index("s")
    g = c * NSUB + s
    st = pl.ds(s * STRIPE, STRIPE)

    pltpu.sync_copy(acc_in.at[pl.ds(s * STRIPE, STRIPE)], d0_v)
    pltpu.sync_copy(acc_in.at[pl.ds(NPAD + s * STRIPE, STRIPE)], n0_v)
    pltpu.sync_copy(acc_in.at[pl.ds(2 * NPAD + s * STRIPE, STRIPE)], d1_v)
    pltpu.sync_copy(acc_in.at[pl.ds(3 * NPAD + s * STRIPE, STRIPE)], n1_v)

    def comb(i, carry):
        sl = pl.ds(i * 16, 16)
        numv = n0_v[sl] + n1_v[sl] + X0
        denv = d0_v[sl] + d1_v[sl] + LAMB
        n0_v[sl] = numv / denv
        zero_v[sl] = jnp.zeros((16,), F32)
        return carry

    lax.fori_loop(0, STRIPE // 16, comb, 0)

    pltpu.sync_copy(n0_v, sig_sh.at[st])
    pltpu.sync_copy(zero_v, den_sh.at[st])
    pltpu.sync_copy(zero_v, num_sh.at[st])
    plsc.subcore_barrier()

    def issue_load(t, b):
        base = (g + t * NTILE) * C
        pltpu.async_copy(edge_hbm.at[pl.ds(base, C)], src_v[b], sem_l[b])
        pltpu.async_copy(edge_hbm.at[pl.ds(E + base, C)], dst_v[b], sem_l[b])
        pltpu.async_copy(ea_hbm.at[pl.ds(base, C)], ea_v[b], sem_l[b])

    def wait_load(t, b):
        base = (g + t * NTILE) * C
        pltpu.make_async_copy(edge_hbm.at[pl.ds(base, C)], src_v[b],
                              sem_l[b]).wait()
        pltpu.make_async_copy(edge_hbm.at[pl.ds(E + base, C)], dst_v[b],
                              sem_l[b]).wait()
        pltpu.make_async_copy(ea_hbm.at[pl.ds(base, C)], ea_v[b],
                              sem_l[b]).wait()

    def issue_gather(b):
        pltpu.async_copy(sig_sh.at[src_v[b]], xj_v[b], sem_g[b])
        pltpu.async_copy(sig_sh.at[dst_v[b]], xi_v[b], sem_g[b])

    def wait_gather(b):
        pltpu.make_async_copy(sig_sh.at[src_v[b]], xj_v[b], sem_g[b]).wait()
        pltpu.make_async_copy(sig_sh.at[dst_v[b]], xi_v[b], sem_g[b]).wait()

    def compute(b):
        xjr, xir, ear, wr, wxr = xj_v[b], xi_v[b], ea_v[b], w_v[b], wx_v[b]

        def vstep(j, carry2):
            for k in range(5):
                sl = pl.ds(j * 80 + k * 16, 16)
                xj = xjr[sl]
                xi = xir[sl]
                ea = ear[sl]
                d = xj - xi + EPS
                w = (ea * ea) * (d * d)
                wr[sl] = w
                wxr[sl] = w * xj
            return carry2

        lax.fori_loop(0, C // 80, vstep, 0)

    issue_load(0, 0)
    wait_load(0, 0)

    def chunk_body(t, b):
        issue_gather(b)
        wait_gather(b)
        tn = jnp.minimum(t + 1, NCH - 1)
        issue_load(tn, 1 - b)
        compute(b)
        wait_load(tn, 1 - b)
        pltpu.sync_copy(w_v[b], den_sh.at[dst_v[b]], add=True)
        pltpu.sync_copy(wx_v[b], num_sh.at[dst_v[b]], add=True)

    def pipe(i, carry):
        chunk_body(i * 2, 0)
        chunk_body(i * 2 + 1, 1)
        return carry

    lax.fori_loop(0, NCH // 2, pipe, 0)

    plsc.subcore_barrier()
    pltpu.sync_copy(den_sh.at[st],
                    acc_out.at[pl.ds(2 * NPAD * c + s * STRIPE, STRIPE)])
    pltpu.sync_copy(num_sh.at[st],
                    acc_out.at[pl.ds(2 * NPAD * c + NPAD + s * STRIPE,
                                     STRIPE)])


def _fin_body(acc_in, out_hbm, n0_v, n1_v, d0_v, d1_v):
    c = lax.axis_index("c")
    s = lax.axis_index("s")

    @pl.when(c == 0)
    def _():
        st = pl.ds(s * STRIPE, STRIPE)
        pltpu.sync_copy(acc_in.at[pl.ds(s * STRIPE, STRIPE)], d0_v)
        pltpu.sync_copy(acc_in.at[pl.ds(NPAD + s * STRIPE, STRIPE)], n0_v)
        pltpu.sync_copy(acc_in.at[pl.ds(2 * NPAD + s * STRIPE, STRIPE)], d1_v)
        pltpu.sync_copy(acc_in.at[pl.ds(3 * NPAD + s * STRIPE, STRIPE)], n1_v)

        def comb(i, carry):
            sl = pl.ds(i * 16, 16)
            numv = n0_v[sl] + n1_v[sl] + X0
            denv = d0_v[sl] + d1_v[sl] + LAMB
            n0_v[sl] = numv / denv
            return carry

        lax.fori_loop(0, STRIPE // 16, comb, 0)
        pltpu.sync_copy(n0_v, out_hbm.at[st])


def kernel(signal, edge_attr, edge_index, itr):
    sig = jnp.pad(signal.reshape(N), (0, NPAD - N))
    edge1 = edge_index.reshape(2 * E)
    ea1 = edge_attr.reshape(E)

    z = jnp.zeros((NPAD,), F32)
    acc0 = jnp.concatenate([z, sig - X0, z, z])

    mesh = plsc.VectorSubcoreMesh(core_axis_name="c", subcore_axis_name="s")
    step = pl.kernel(
        _step_body,
        out_type=jax.ShapeDtypeStruct((4 * NPAD,), F32),
        mesh=mesh,
        scratch_types=[
            pltpu.VMEM_SHARED((NPAD,), F32),
            pltpu.VMEM_SHARED((NPAD,), F32),
            pltpu.VMEM_SHARED((NPAD,), F32),
            pltpu.VMEM((STRIPE,), F32),
            pltpu.VMEM((STRIPE,), F32),
            pltpu.VMEM((STRIPE,), F32),
            pltpu.VMEM((STRIPE,), F32),
            pltpu.VMEM((STRIPE,), F32),
        ] + [pltpu.VMEM((C,), I32) for _ in range(4)]
          + [pltpu.VMEM((C,), F32) for _ in range(10)]
          + [pltpu.SemaphoreType.DMA for _ in range(4)],
    )

    def body(_, acc):
        return step(acc, edge1, ea1)

    acc_f = lax.fori_loop(0, itr, body, acc0)

    fin = pl.kernel(
        _fin_body,
        out_type=jax.ShapeDtypeStruct((NPAD,), F32),
        mesh=mesh,
        scratch_types=[
            pltpu.VMEM((STRIPE,), F32),
            pltpu.VMEM((STRIPE,), F32),
            pltpu.VMEM((STRIPE,), F32),
            pltpu.VMEM((STRIPE,), F32),
        ],
    )
    sig_out = fin(acc_f)
    return sig_out[:N].reshape(N, 1)

# --- scband reference (transcript-rebuilt; emitter-appended) ---
"""Pipeline reference for scband-pde-82961588289681 (READ-ONLY COPY).

The authoritative reference and input builder live on the scoring server;
editing this copy changes nothing except your own understanding.
"""

import jax, jax.numpy as jnp
import numpy as np

N = 100000
E = 6400000
EPS = 1e-06
LAMB = 1.0
P = 4.0
X0 = 0.05


def setup_inputs(seed: int = 0) -> dict:
    key = jax.random.key(seed)
    k1, k2, k3 = jax.random.split(key, 3)
    signal = jax.random.uniform(k1, (N, 1), dtype=jnp.float32)
    edge_index = jax.random.randint(k2, (2, E), 0, N, dtype=jnp.int32)
    edge_attr = jax.random.uniform(k3, (E, 1), dtype=jnp.float32)
    return {"signal": signal, "edge_attr": edge_attr, "edge_index": edge_index, "itr": 3}


def reference(signal, edge_attr, edge_index, itr):
    # PyG MessagePassing with flow source_to_target:
    #   x_j = x[edge_index[0]] (source), x_i = x[edge_index[1]] (target),
    #   aggregation ('add') indexed by edge_index[1].
    src = edge_index[0]
    dst = edge_index[1]

    def body(_, signal):
        x_i = signal[dst]
        x_j = signal[src]
        w = jnp.power(jnp.sqrt(edge_attr), P) * jnp.power(jnp.abs(x_j - x_i + EPS), P - 2.0)
        # Numerator: sum_j w * x_j, update: x0 * lamb + aggr
        num = jax.ops.segment_sum(w * x_j, dst, num_segments=N) + X0 * LAMB
        # Denominator: sum_j w, update: lamb + aggr
        den = jax.ops.segment_sum(w, dst, num_segments=N) + LAMB
        return num / den

    signal = jax.lax.fori_loop(0, itr, body, signal)
    return signal

if __name__ == "__main__":
    import jax
    _d = setup_inputs()
    print(jax.jit(kernel)(*tuple(_d.values())))

</pallas_src>

<mosaic_0001>
#map = affine_map<(d0, d1) -> (0)>
module attributes {stable_mosaic.version = 14 : i64} {
  func.func @_fin_body(%arg0: i32, %arg1: i32, %arg2: memref<401408xf32, #tpu.memory_space<hbm>>, %arg3: memref<100352xf32, #tpu.memory_space<hbm>>, %arg4: memref<6272xf32, #tpu.memory_space<vmem>>, %arg5: memref<6272xf32, #tpu.memory_space<vmem>>, %arg6: memref<6272xf32, #tpu.memory_space<vmem>>, %arg7: memref<6272xf32, #tpu.memory_space<vmem>>) attributes {dimension_semantics = [#tpu.dimension_semantics<core_parallel>, #tpu.dimension_semantics<subcore_parallel>], iteration_bounds = array<i64: 2, 16>, scalar_prefetch = 0 : i64, scratch_operands = 4 : i64, tpu.core_type = #tpu.core_type<sc_vector_subcore>, window_params = [{transform_indices = #map}, {transform_indices = #map}]} {
    %eq3A = arith.constant 0 : i32
    %eq3A_0 = arith.cmpi eq, %arg0, %eq3A : i32
    %convert_element_type3A = arith.extui %eq3A_0 : i1 to i32
    %cond3A = arith.constant 0 : i32
    %cond3A_1 = arith.cmpi ne, %convert_element_type3A, %cond3A : i32
    scf.if %cond3A_1 {
      %mul3A = arith.constant 6272 : i32
      %mul3A_2 = arith.muli %arg1, %mul3A : i32
      %mul3A_3 = arith.constant 6272 : i32
      %mul3A_4 = arith.muli %arg1, %mul3A_3 : i32
      "tpu.region"() ({
        %run_scoped3A = tpu.sem_alloc : memref<!tpu.dma_semaphore, #tpu.memory_space<semaphore_mem>>
        %dma_start3A = tpu.memref_slice %arg2[%mul3A_4] : memref<401408xf32, #tpu.memory_space<hbm>> -> memref<6272xf32, #tpu.memory_space<hbm>>
        %dma_start3A_21 = tpu.memref_slice %arg2[%mul3A_4] : memref<401408xf32, #tpu.memory_space<hbm>> -> memref<6272xf32, #tpu.memory_space<hbm>>
        tpu.enqueue_dma source(%dma_start3A_21 : memref<6272xf32, #tpu.memory_space<hbm>>) target(%arg6 : memref<6272xf32, #tpu.memory_space<vmem>>) target_semaphore(%run_scoped3A : memref<!tpu.dma_semaphore, #tpu.memory_space<semaphore_mem>>)
        %dma_wait3A = tpu.memref_slice %arg2[%mul3A_4] : memref<401408xf32, #tpu.memory_space<hbm>> -> memref<6272xf32, #tpu.memory_space<hbm>>
        %dma_wait3A_22 = tpu.memref_slice %arg2[%mul3A_4] : memref<401408xf32, #tpu.memory_space<hbm>> -> memref<6272xf32, #tpu.memory_space<hbm>>
        tpu.wait_dma2 semaphore(%run_scoped3A : memref<!tpu.dma_semaphore, #tpu.memory_space<semaphore_mem>>) src(%dma_wait3A_22 : memref<6272xf32, #tpu.memory_space<hbm>>) dst(%arg6 : memref<6272xf32, #tpu.memory_space<vmem>>)
        tpu.yield
      }) : () -> ()
      %mul3A_5 = arith.constant 6272 : i32
      %mul3A_6 = arith.muli %arg1, %mul3A_5 : i32
      %add3A = arith.constant 100352 : i32
      %add3A_7 = arith.addi %add3A, %mul3A_6 : i32
      "tpu.region"() ({
        %run_scoped3A = tpu.sem_alloc : memref<!tpu.dma_semaphore, #tpu.memory_space<semaphore_mem>>
        %dma_start3A = tpu.memref_slice %arg2[%add3A_7] : memref<401408xf32, #tpu.memory_space<hbm>> -> memref<6272xf32, #tpu.memory_space<hbm>>
        %dma_start3A_21 = tpu.memref_slice %arg2[%add3A_7] : memref<401408xf32, #tpu.memory_space<hbm>> -> memref<6272xf32, #tpu.memory_space<hbm>>
        tpu.enqueue_dma source(%dma_start3A_21 : memref<6272xf32, #tpu.memory_space<hbm>>) target(%arg4 : memref<6272xf32, #tpu.memory_space<vmem>>) target_semaphore(%run_scoped3A : memref<!tpu.dma_semaphore, #tpu.memory_space<semaphore_mem>>)
        %dma_wait3A = tpu.memref_slice %arg2[%add3A_7] : memref<401408xf32, #tpu.memory_space<hbm>> -> memref<6272xf32, #tpu.memory_space<hbm>>
        %dma_wait3A_22 = tpu.memref_slice %arg2[%add3A_7] : memref<401408xf32, #tpu.memory_space<hbm>> -> memref<6272xf32, #tpu.memory_space<hbm>>
        tpu.wait_dma2 semaphore(%run_scoped3A : memref<!tpu.dma_semaphore, #tpu.memory_space<semaphore_mem>>) src(%dma_wait3A_22 : memref<6272xf32, #tpu.memory_space<hbm>>) dst(%arg4 : memref<6272xf32, #tpu.memory_space<vmem>>)
        tpu.yield
      }) : () -> ()
      %mul3A_8 = arith.constant 6272 : i32
      %mul3A_9 = arith.muli %arg1, %mul3A_8 : i32
      %add3A_10 = arith.constant 200704 : i32
      %add3A_11 = arith.addi %add3A_10, %mul3A_9 : i32
      "tpu.region"() ({
        %run_scoped3A = tpu.sem_alloc : memref<!tpu.dma_semaphore, #tpu.memory_space<semaphore_mem>>
        %dma_start3A = tpu.memref_slice %arg2[%add3A_11] : memref<401408xf32, #tpu.memory_space<hbm>> -> memref<6272xf32, #tpu.memory_space<hbm>>
        %dma_start3A_21 = tpu.memref_slice %arg2[%add3A_11] : memref<401408xf32, #tpu.memory_space<hbm>> -> memref<6272xf32, #tpu.memory_space<hbm>>
        tpu.enqueue_dma source(%dma_start3A_21 : memref<6272xf32, #tpu.memory_space<hbm>>) target(%arg7 : memref<6272xf32, #tpu.memory_space<vmem>>) target_semaphore(%run_scoped3A : memref<!tpu.dma_semaphore, #tpu.memory_space<semaphore_mem>>)
        %dma_wait3A = tpu.memref_slice %arg2[%add3A_11] : memref<401408xf32, #tpu.memory_space<hbm>> -> memref<6272xf32, #tpu.memory_space<hbm>>
        %dma_wait3A_22 = tpu.memref_slice %arg2[%add3A_11] : memref<401408xf32, #tpu.memory_space<hbm>> -> memref<6272xf32, #tpu.memory_space<hbm>>
        tpu.wait_dma2 semaphore(%run_scoped3A : memref<!tpu.dma_semaphore, #tpu.memory_space<semaphore_mem>>) src(%dma_wait3A_22 : memref<6272xf32, #tpu.memory_space<hbm>>) dst(%arg7 : memref<6272xf32, #tpu.memory_space<vmem>>)
        tpu.yield
      }) : () -> ()
      %mul3A_12 = arith.constant 6272 : i32
      %mul3A_13 = arith.muli %arg1, %mul3A_12 : i32
      %add3A_14 = arith.constant 301056 : i32
      %add3A_15 = arith.addi %add3A_14, %mul3A_13 : i32
      "tpu.region"() ({
        %run_scoped3A = tpu.sem_alloc : memref<!tpu.dma_semaphore, #tpu.memory_space<semaphore_mem>>
        %dma_start3A = tpu.memref_slice %arg2[%add3A_15] : memref<401408xf32, #tpu.memory_space<hbm>> -> memref<6272xf32, #tpu.memory_space<hbm>>
        %dma_start3A_21 = tpu.memref_slice %arg2[%add3A_15] : memref<401408xf32, #tpu.memory_space<hbm>> -> memref<6272xf32, #tpu.memory_space<hbm>>
        tpu.enqueue_dma source(%dma_start3A_21 : memref<6272xf32, #tpu.memory_space<hbm>>) target(%arg5 : memref<6272xf32, #tpu.memory_space<vmem>>) target_semaphore(%run_scoped3A : memref<!tpu.dma_semaphore, #tpu.memory_space<semaphore_mem>>)
        %dma_wait3A = tpu.memref_slice %arg2[%add3A_15] : memref<401408xf32, #tpu.memory_space<hbm>> -> memref<6272xf32, #tpu.memory_space<hbm>>
        %dma_wait3A_22 = tpu.memref_slice %arg2[%add3A_15] : memref<401408xf32, #tpu.memory_space<hbm>> -> memref<6272xf32, #tpu.memory_space<hbm>>
        tpu.wait_dma2 semaphore(%run_scoped3A : memref<!tpu.dma_semaphore, #tpu.memory_space<semaphore_mem>>) src(%dma_wait3A_22 : memref<6272xf32, #tpu.memory_space<hbm>>) dst(%arg5 : memref<6272xf32, #tpu.memory_space<vmem>>)
        tpu.yield
      }) : () -> ()
      %scan3A = arith.constant 0 : i32
      %scan3A_16 = arith.constant 0 : i32
      %scan3A_17 = arith.constant 392 : i32
      %scan3A_18 = arith.addi %scan3A_16, %scan3A_17 : i32
      %scan3A_19 = arith.constant 1 : i32
      scf.for %scan3A_21 = %scan3A_16 to %scan3A_18 step %scan3A_19  : i32 {
        %mul3A_22 = arith.constant 16 : i32
        %mul3A_23 = arith.muli %scan3A_21, %mul3A_22 : i32
        %get3A = arith.index_cast %mul3A_23 : i32 to index
        %get3A_24 = tpu.vector_load %arg4[%get3A] {strides = array<i32>} : memref<6272xf32, #tpu.memory_space<vmem>>, vector<16xf32>,
        %get3A_25 = vector.shape_cast %get3A_24 : vector<16xf32> to vector<16xf32>
        %get3A_26 = arith.index_cast %mul3A_23 : i32 to index
        %get3A_27 = tpu.vector_load %arg5[%get3A_26] {strides = array<i32>} : memref<6272xf32, #tpu.memory_space<vmem>>, vector<16xf32>,
        %get3A_28 = vector.shape_cast %get3A_27 : vector<16xf32> to vector<16xf32>
        %add3A_29 = arith.addf %get3A_25, %get3A_28 : vector<16xf32>
        %add3A_30 = arith.constant 5.000000e-02 : f32
        %add3A_31 = vector.broadcast %add3A_30 : f32 to vector<16xf32>
        %add3A_32 = arith.addf %add3A_29, %add3A_31 : vector<16xf32>
        %get3A_33 = arith.index_cast %mul3A_23 : i32 to index
        %get3A_34 = tpu.vector_load %arg6[%get3A_33] {strides = array<i32>} : memref<6272xf32, #tpu.memory_space<vmem>>, vector<16xf32>,
        %get3A_35 = vector.shape_cast %get3A_34 : vector<16xf32> to vector<16xf32>
        %get3A_36 = arith.index_cast %mul3A_23 : i32 to index
        %get3A_37 = tpu.vector_load %arg7[%get3A_36] {strides = array<i32>} : memref<6272xf32, #tpu.memory_space<vmem>>, vector<16xf32>,
        %get3A_38 = vector.shape_cast %get3A_37 : vector<16xf32> to vector<16xf32>
        %add3A_39 = arith.addf %get3A_35, %get3A_38 : vector<16xf32>
        %add3A_40 = arith.constant 1.000000e+00 : f32
        %add3A_41 = vector.broadcast %add3A_40 : f32 to vector<16xf32>
        %add3A_42 = arith.addf %add3A_39, %add3A_41 : vector<16xf32>
        %div3A = arith.divf %add3A_32, %add3A_42 : vector<16xf32>
        %swap3A = arith.index_cast %mul3A_23 : i32 to index
        %swap3A_43 = tpu.vector_load %arg4[%swap3A] {strides = array<i32>} : memref<6272xf32, #tpu.memory_space<vmem>>, vector<16xf32>,
        %swap3A_44 = vector.shape_cast %swap3A_43 : vector<16xf32> to vector<16xf32>
        %swap3A_45 = vector.shape_cast %div3A : vector<16xf32> to vector<16xf32>
        tpu.vector_store %arg4[%swap3A], %swap3A_45 {strides = array<i32>} : memref<6272xf32, #tpu.memory_space<vmem>>, vector<16xf32>,
      }
      %scan3A_20 = arith.constant 392 : i32
      "tpu.region"() ({
        %run_scoped3A = tpu.sem_alloc : memref<!tpu.dma_semaphore, #tpu.memory_space<semaphore_mem>>
        %dma_start3A = tpu.memref_slice %arg3[%mul3A_2] : memref<100352xf32, #tpu.memory_space<hbm>> -> memref<6272xf32, #tpu.memory_space<hbm>>
        %dma_start3A_21 = tpu.memref_slice %arg3[%mul3A_2] : memref<100352xf32, #tpu.memory_space<hbm>> -> memref<6272xf32, #tpu.memory_space<hbm>>
        tpu.enqueue_dma source(%arg4 : memref<6272xf32, #tpu.memory_space<vmem>>) target(%dma_start3A_21 : memref<6272xf32, #tpu.memory_space<hbm>>) target_semaphore(%run_scoped3A : memref<!tpu.dma_semaphore, #tpu.memory_space<semaphore_mem>>)
        %dma_wait3A = tpu.memref_slice %arg3[%mul3A_2] : memref<100352xf32, #tpu.memory_space<hbm>> -> memref<6272xf32, #tpu.memory_space<hbm>>
        %dma_wait3A_22 = tpu.memref_slice %arg3[%mul3A_2] : memref<100352xf32, #tpu.memory_space<hbm>> -> memref<6272xf32, #tpu.memory_space<hbm>>
        tpu.wait_dma2 semaphore(%run_scoped3A : memref<!tpu.dma_semaphore, #tpu.memory_space<semaphore_mem>>) src(%arg4 : memref<6272xf32, #tpu.memory_space<vmem>>) dst(%dma_wait3A_22 : memref<6272xf32, #tpu.memory_space<hbm>>)
        tpu.yield
      }) : () -> ()
    } else {
    }
    return
  }
}

#map = affine_map<(d0, d1) -> (0)>
module attributes {stable_mosaic.version = 14 : i64} {
  func.func @_step_body(%arg0: i32, %arg1: i32, %arg2: memref<401408xf32, #tpu.memory_space<hbm>>, %arg3: memref<12800000xi32, #tpu.memory_space<hbm>>, %arg4: memref<6400000xf32, #tpu.memory_space<hbm>>, %arg5: memref<401408xf32, #tpu.memory_space<hbm>>, %arg6: memref<100352xf32, #tpu.memory_space<vmem_shared>>, %arg7: memref<100352xf32, #tpu.memory_space<vmem_shared>>, %arg8: memref<100352xf32, #tpu.memory_space<vmem_shared>>, %arg9: memref<6272xf32, #tpu.memory_space<vmem>>, %arg10: memref<6272xf32, #tpu.memory_space<vmem>>, %arg11: memref<6272xf32, #tpu.memory_space<vmem>>, %arg12: memref<6272xf32, #tpu.memory_space<vmem>>, %arg13: memref<6272xf32, #tpu.memory_space<vmem>>, %arg14: memref<4000xi32, #tpu.memory_space<vmem>>, %arg15: memref<4000xi32, #tpu.memory_space<vmem>>, %arg16: memref<4000xi32, #tpu.memory_space<vmem>>, %arg17: memref<4000xi32, #tpu.memory_space<vmem>>, %arg18: memref<4000xf32, #tpu.memory_space<vmem>>, %arg19: memref<4000xf32, #tpu.memory_space<vmem>>, %arg20: memref<4000xf32, #tpu.memory_space<vmem>>, %arg21: memref<4000xf32, #tpu.memory_space<vmem>>, %arg22: memref<4000xf32, #tpu.memory_space<vmem>>, %arg23: memref<4000xf32, #tpu.memory_space<vmem>>, %arg24: memref<4000xf32, #tpu.memory_space<vmem>>, %arg25: memref<4000xf32, #tpu.memory_space<vmem>>, %arg26: memref<4000xf32, #tpu.memory_space<vmem>>, %arg27: memref<4000xf32, #tpu.memory_space<vmem>>, %arg28: memref<!tpu.dma_semaphore, #tpu.memory_space<semaphore_mem>>, %arg29: memref<!tpu.dma_semaphore, #tpu.memory_space<semaphore_mem>>, %arg30: memref<!tpu.dma_semaphore, #tpu.memory_space<semaphore_mem>>, %arg31: memref<!tpu.dma_semaphore, #tpu.memory_space<semaphore_mem>>) attributes {dimension_semantics = [#tpu.dimension_semantics<core_parallel>, #tpu.dimension_semantics<subcore_parallel>], iteration_bounds = array<i64: 2, 16>, scalar_prefetch = 0 : i64, scratch_operands = 26 : i64, tpu.core_type = #tpu.core_type<sc_vector_subcore>, window_params = [{transform_indices = #map}, {transform_indices = #map}, {transform_indices = #map}, {transform_indices = #map}]} {
    %mul3A = arith.constant 16 : i32
    %mul3A_0 = arith.muli %arg0, %mul3A : i32
    %add3A = arith.addi %mul3A_0, %arg1 : i32
    %mul3A_1 = arith.constant 6272 : i32
    %mul3A_2 = arith.muli %arg1, %mul3A_1 : i32
    %mul3A_3 = arith.constant 6272 : i32
    %mul3A_4 = arith.muli %arg1, %mul3A_3 : i32
    "tpu.region"() ({
      %run_scoped3A = tpu.sem_alloc : memref<!tpu.dma_semaphore, #tpu.memory_space<semaphore_mem>>
      %dma_start3A_63 = tpu.memref_slice %arg2[%mul3A_4] : memref<401408xf32, #tpu.memory_space<hbm>> -> memref<6272xf32, #tpu.memory_space<hbm>>
      %dma_start3A_64 = tpu.memref_slice %arg2[%mul3A_4] : memref<401408xf32, #tpu.memory_space<hbm>> -> memref<6272xf32, #tpu.memory_space<hbm>>
      tpu.enqueue_dma source(%dma_start3A_64 : memref<6272xf32, #tpu.memory_space<hbm>>) target(%arg11 : memref<6272xf32, #tpu.memory_space<vmem>>) target_semaphore(%run_scoped3A : memref<!tpu.dma_semaphore, #tpu.memory_space<semaphore_mem>>)
      %dma_wait3A_65 = tpu.memref_slice %arg2[%mul3A_4] : memref<401408xf32, #tpu.memory_space<hbm>> -> memref<6272xf32, #tpu.memory_space<hbm>>
      %dma_wait3A_66 = tpu.memref_slice %arg2[%mul3A_4] : memref<401408xf32, #tpu.memory_space<hbm>> -> memref<6272xf32, #tpu.memory_space<hbm>>
      tpu.wait_dma2 semaphore(%run_scoped3A : memref<!tpu.dma_semaphore, #tpu.memory_space<semaphore_mem>>) src(%dma_wait3A_66 : memref<6272xf32, #tpu.memory_space<hbm>>) dst(%arg11 : memref<6272xf32, #tpu.memory_space<vmem>>)
      tpu.yield
    }) : () -> ()
    %mul3A_5 = arith.constant 6272 : i32
    %mul3A_6 = arith.muli %arg1, %mul3A_5 : i32
    %add3A_7 = arith.constant 100352 : i32
    %add3A_8 = arith.addi %add3A_7, %mul3A_6 : i32
    "tpu.region"() ({
      %run_scoped3A = tpu.sem_alloc : memref<!tpu.dma_semaphore, #tpu.memory_space<semaphore_mem>>
      %dma_start3A_63 = tpu.memref_slice %arg2[%add3A_8] : memref<401408xf32, #tpu.memory_space<hbm>> -> memref<6272xf32, #tpu.memory_space<hbm>>
      %dma_start3A_64 = tpu.memref_slice %arg2[%add3A_8] : memref<401408xf32, #tpu.memory_space<hbm>> -> memref<6272xf32, #tpu.memory_space<hbm>>
      tpu.enqueue_dma source(%dma_start3A_64 : memref<6272xf32, #tpu.memory_space<hbm>>) target(%arg9 : memref<6272xf32, #tpu.memory_space<vmem>>) target_semaphore(%run_scoped3A : memref<!tpu.dma_semaphore, #tpu.memory_space<semaphore_mem>>)
      %dma_wait3A_65 = tpu.memref_slice %arg2[%add3A_8] : memref<401408xf32, #tpu.memory_space<hbm>> -> memref<6272xf32, #tpu.memory_space<hbm>>
      %dma_wait3A_66 = tpu.memref_slice %arg2[%add3A_8] : memref<401408xf32, #tpu.memory_space<hbm>> -> memref<6272xf32, #tpu.memory_space<hbm>>
      tpu.wait_dma2 semaphore(%run_scoped3A : memref<!tpu.dma_semaphore, #tpu.memory_space<semaphore_mem>>) src(%dma_wait3A_66 : memref<6272xf32, #tpu.memory_space<hbm>>) dst(%arg9 : memref<6272xf32, #tpu.memory_space<vmem>>)
      tpu.yield
    }) : () -> ()
    %mul3A_9 = arith.constant 6272 : i32
    %mul3A_10 = arith.muli %arg1, %mul3A_9 : i32
    %add3A_11 = arith.constant 200704 : i32
    %add3A_12 = arith.addi %add3A_11, %mul3A_10 : i32
    "tpu.region"() ({
      %run_scoped3A = tpu.sem_alloc : memref<!tpu.dma_semaphore, #tpu.memory_space<semaphore_mem>>
      %dma_start3A_63 = tpu.memref_slice %arg2[%add3A_12] : memref<401408xf32, #tpu.memory_space<hbm>> -> memref<6272xf32, #tpu.memory_space<hbm>>
      %dma_start3A_64 = tpu.memref_slice %arg2[%add3A_12] : memref<401408xf32, #tpu.memory_space<hbm>> -> memref<6272xf32, #tpu.memory_space<hbm>>
      tpu.enqueue_dma source(%dma_start3A_64 : memref<6272xf32, #tpu.memory_space<hbm>>) target(%arg12 : memref<6272xf32, #tpu.memory_space<vmem>>) target_semaphore(%run_scoped3A : memref<!tpu.dma_semaphore, #tpu.memory_space<semaphore_mem>>)
      %dma_wait3A_65 = tpu.memref_slice %arg2[%add3A_12] : memref<401408xf32, #tpu.memory_space<hbm>> -> memref<6272xf32, #tpu.memory_space<hbm>>
      %dma_wait3A_66 = tpu.memref_slice %arg2[%add3A_12] : memref<401408xf32, #tpu.memory_space<hbm>> -> memref<6272xf32, #tpu.memory_space<hbm>>
      tpu.wait_dma2 semaphore(%run_scoped3A : memref<!tpu.dma_semaphore, #tpu.memory_space<semaphore_mem>>) src(%dma_wait3A_66 : memref<6272xf32, #tpu.memory_space<hbm>>) dst(%arg12 : memref<6272xf32, #tpu.memory_space<vmem>>)
      tpu.yield
    }) : () -> ()
    %mul3A_13 = arith.constant 6272 : i32
    %mul3A_14 = arith.muli %arg1, %mul3A_13 : i32
    %add3A_15 = arith.constant 301056 : i32
    %add3A_16 = arith.addi %add3A_15, %mul3A_14 : i32
    "tpu.region"() ({
      %run_scoped3A = tpu.sem_alloc : memref<!tpu.dma_semaphore, #tpu.memory_space<semaphore_mem>>
      %dma_start3A_63 = tpu.memref_slice %arg2[%add3A_16] : memref<401408xf32, #tpu.memory_space<hbm>> -> memref<6272xf32, #tpu.memory_space<hbm>>
      %dma_start3A_64 = tpu.memref_slice %arg2[%add3A_16] : memref<401408xf32, #tpu.memory_space<hbm>> -> memref<6272xf32, #tpu.memory_space<hbm>>
      tpu.enqueue_dma source(%dma_start3A_64 : memref<6272xf32, #tpu.memory_space<hbm>>) target(%arg10 : memref<6272xf32, #tpu.memory_space<vmem>>) target_semaphore(%run_scoped3A : memref<!tpu.dma_semaphore, #tpu.memory_space<semaphore_mem>>)
      %dma_wait3A_65 = tpu.memref_slice %arg2[%add3A_16] : memref<401408xf32, #tpu.memory_space<hbm>> -> memref<6272xf32, #tpu.memory_space<hbm>>
      %dma_wait3A_66 = tpu.memref_slice %arg2[%add3A_16] : memref<401408xf32, #tpu.memory_space<hbm>> -> memref<6272xf32, #tpu.memory_space<hbm>>
      tpu.wait_dma2 semaphore(%run_scoped3A : memref<!tpu.dma_semaphore, #tpu.memory_space<semaphore_mem>>) src(%dma_wait3A_66 : memref<6272xf32, #tpu.memory_space<hbm>>) dst(%arg10 : memref<6272xf32, #tpu.memory_space<vmem>>)
      tpu.yield
    }) : () -> ()
    %scan3A = arith.constant 0 : i32
    %scan3A_17 = arith.constant 0 : i32
    %scan3A_18 = arith.constant 392 : i32
    %scan3A_19 = arith.addi %scan3A_17, %scan3A_18 : i32
    %scan3A_20 = arith.constant 1 : i32
    scf.for %scan3A_63 = %scan3A_17 to %scan3A_19 step %scan3A_20  : i32 {
      %mul3A_64 = arith.constant 16 : i32
      %mul3A_65 = arith.muli %scan3A_63, %mul3A_64 : i32
      %get3A = arith.index_cast %mul3A_65 : i32 to index
      %get3A_66 = tpu.vector_load %arg9[%get3A] {strides = array<i32>} : memref<6272xf32, #tpu.memory_space<vmem>>, vector<16xf32>,
      %get3A_67 = vector.shape_cast %get3A_66 : vector<16xf32> to vector<16xf32>
      %get3A_68 = arith.index_cast %mul3A_65 : i32 to index
      %get3A_69 = tpu.vector_load %arg10[%get3A_68] {strides = array<i32>} : memref<6272xf32, #tpu.memory_space<vmem>>, vector<16xf32>,
      %get3A_70 = vector.shape_cast %get3A_69 : vector<16xf32> to vector<16xf32>
      %add3A_71 = arith.addf %get3A_67, %get3A_70 : vector<16xf32>
      %add3A_72 = arith.constant 5.000000e-02 : f32
      %add3A_73 = vector.broadcast %add3A_72 : f32 to vector<16xf32>
      %add3A_74 = arith.addf %add3A_71, %add3A_73 : vector<16xf32>
      %get3A_75 = arith.index_cast %mul3A_65 : i32 to index
      %get3A_76 = tpu.vector_load %arg11[%get3A_75] {strides = array<i32>} : memref<6272xf32, #tpu.memory_space<vmem>>, vector<16xf32>,
      %get3A_77 = vector.shape_cast %get3A_76 : vector<16xf32> to vector<16xf32>
      %get3A_78 = arith.index_cast %mul3A_65 : i32 to index
      %get3A_79 = tpu.vector_load %arg12[%get3A_78] {strides = array<i32>} : memref<6272xf32, #tpu.memory_space<vmem>>, vector<16xf32>,
      %get3A_80 = vector.shape_cast %get3A_79 : vector<16xf32> to vector<16xf32>
      %add3A_81 = arith.addf %get3A_77, %get3A_80 : vector<16xf32>
      %add3A_82 = arith.constant 1.000000e+00 : f32
      %add3A_83 = vector.broadcast %add3A_82 : f32 to vector<16xf32>
      %add3A_84 = arith.addf %add3A_81, %add3A_83 : vector<16xf32>
      %div3A = arith.divf %add3A_74, %add3A_84 : vector<16xf32>
      %swap3A = arith.index_cast %mul3A_65 : i32 to index
      %swap3A_85 = tpu.vector_load %arg9[%swap3A] {strides = array<i32>} : memref<6272xf32, #tpu.memory_space<vmem>>, vector<16xf32>,
      %swap3A_86 = vector.shape_cast %swap3A_85 : vector<16xf32> to vector<16xf32>
      %swap3A_87 = vector.shape_cast %div3A : vector<16xf32> to vector<16xf32>
      tpu.vector_store %arg9[%swap3A], %swap3A_87 {strides = array<i32>} : memref<6272xf32, #tpu.memory_space<vmem>>, vector<16xf32>,
      %broadcast_in_dim3A = arith.constant 0.000000e+00 : f32
      %broadcast_in_dim3A_88 = vector.broadcast %broadcast_in_dim3A : f32 to vector<16xf32>
      %swap3A_89 = arith.index_cast %mul3A_65 : i32 to index
      %swap3A_90 = tpu.vector_load %arg13[%swap3A_89] {strides = array<i32>} : memref<6272xf32, #tpu.memory_space<vmem>>, vector<16xf32>,
      %swap3A_91 = vector.shape_cast %swap3A_90 : vector<16xf32> to vector<16xf32>
      %swap3A_92 = vector.shape_cast %broadcast_in_dim3A_88 : vector<16xf32> to vector<16xf32>
      tpu.vector_store %arg13[%swap3A_89], %swap3A_92 {strides = array<i32>} : memref<6272xf32, #tpu.memory_space<vmem>>, vector<16xf32>,
    }
    %scan3A_21 = arith.constant 392 : i32
    "tpu.region"() ({
      %run_scoped3A = tpu.sem_alloc : memref<!tpu.dma_semaphore, #tpu.memory_space<semaphore_mem>>
      %dma_start3A_63 = tpu.memref_slice %arg6[%mul3A_2] : memref<100352xf32, #tpu.memory_space<vmem_shared>> -> memref<6272xf32, #tpu.memory_space<vmem_shared>>
      %dma_start3A_64 = tpu.memref_slice %arg6[%mul3A_2] : memref<100352xf32, #tpu.memory_space<vmem_shared>> -> memref<6272xf32, #tpu.memory_space<vmem_shared>>
      tpu.enqueue_dma source(%arg9 : memref<6272xf32, #tpu.memory_space<vmem>>) target(%dma_start3A_64 : memref<6272xf32, #tpu.memory_space<vmem_shared>>) target_semaphore(%run_scoped3A : memref<!tpu.dma_semaphore, #tpu.memory_space<semaphore_mem>>)
      %dma_wait3A_65 = tpu.memref_slice %arg6[%mul3A_2] : memref<100352xf32, #tpu.memory_space<vmem_shared>> -> memref<6272xf32, #tpu.memory_space<vmem_shared>>
      %dma_wait3A_66 = tpu.memref_slice %arg6[%mul3A_2] : memref<100352xf32, #tpu.memory_space<vmem_shared>> -> memref<6272xf32, #tpu.memory_space<vmem_shared>>
      tpu.wait_dma2 semaphore(%run_scoped3A : memref<!tpu.dma_semaphore, #tpu.memory_space<semaphore_mem>>) src(%arg9 : memref<6272xf32, #tpu.memory_space<vmem>>) dst(%dma_wait3A_66 : memref<6272xf32, #tpu.memory_space<vmem_shared>>)
      tpu.yield
    }) : () -> ()
    "tpu.region"() ({
      %run_scoped3A = tpu.sem_alloc : memref<!tpu.dma_semaphore, #tpu.memory_space<semaphore_mem>>
      %dma_start3A_63 = tpu.memref_slice %arg7[%mul3A_2] : memref<100352xf32, #tpu.memory_space<vmem_shared>> -> memref<6272xf32, #tpu.memory_space<vmem_shared>>
      %dma_start3A_64 = tpu.memref_slice %arg7[%mul3A_2] : memref<100352xf32, #tpu.memory_space<vmem_shared>> -> memref<6272xf32, #tpu.memory_space<vmem_shared>>
      tpu.enqueue_dma source(%arg13 : memref<6272xf32, #tpu.memory_space<vmem>>) target(%dma_start3A_64 : memref<6272xf32, #tpu.memory_space<vmem_shared>>) target_semaphore(%run_scoped3A : memref<!tpu.dma_semaphore, #tpu.memory_space<semaphore_mem>>)
      %dma_wait3A_65 = tpu.memref_slice %arg7[%mul3A_2] : memref<100352xf32, #tpu.memory_space<vmem_shared>> -> memref<6272xf32, #tpu.memory_space<vmem_shared>>
      %dma_wait3A_66 = tpu.memref_slice %arg7[%mul3A_2] : memref<100352xf32, #tpu.memory_space<vmem_shared>> -> memref<6272xf32, #tpu.memory_space<vmem_shared>>
      tpu.wait_dma2 semaphore(%run_scoped3A : memref<!tpu.dma_semaphore, #tpu.memory_space<semaphore_mem>>) src(%arg13 : memref<6272xf32, #tpu.memory_space<vmem>>) dst(%dma_wait3A_66 : memref<6272xf32, #tpu.memory_space<vmem_shared>>)
      tpu.yield
    }) : () -> ()
    "tpu.region"() ({
      %run_scoped3A = tpu.sem_alloc : memref<!tpu.dma_semaphore, #tpu.memory_space<semaphore_mem>>
      %dma_start3A_63 = tpu.memref_slice %arg8[%mul3A_2] : memref<100352xf32, #tpu.memory_space<vmem_shared>> -> memref<6272xf32, #tpu.memory_space<vmem_shared>>
      %dma_start3A_64 = tpu.memref_slice %arg8[%mul3A_2] : memref<100352xf32, #tpu.memory_space<vmem_shared>> -> memref<6272xf32, #tpu.memory_space<vmem_shared>>
      tpu.enqueue_dma source(%arg13 : memref<6272xf32, #tpu.memory_space<vmem>>) target(%dma_start3A_64 : memref<6272xf32, #tpu.memory_space<vmem_shared>>) target_semaphore(%run_scoped3A : memref<!tpu.dma_semaphore, #tpu.memory_space<semaphore_mem>>)
      %dma_wait3A_65 = tpu.memref_slice %arg8[%mul3A_2] : memref<100352xf32, #tpu.memory_space<vmem_shared>> -> memref<6272xf32, #tpu.memory_space<vmem_shared>>
      %dma_wait3A_66 = tpu.memref_slice %arg8[%mul3A_2] : memref<100352xf32, #tpu.memory_space<vmem_shared>> -> memref<6272xf32, #tpu.memory_space<vmem_shared>>
      tpu.wait_dma2 semaphore(%run_scoped3A : memref<!tpu.dma_semaphore, #tpu.memory_space<semaphore_mem>>) src(%arg13 : memref<6272xf32, #tpu.memory_space<vmem>>) dst(%dma_wait3A_66 : memref<6272xf32, #tpu.memory_space<vmem_shared>>)
      tpu.yield
    }) : () -> ()
    %barrier3A = arith.constant 0 : index
    tpu.barrier barrier_id(%barrier3A)
    %add3A_22 = arith.constant 0 : i32
    %add3A_23 = arith.addi %add3A, %add3A_22 : i32
    %mul3A_24 = arith.constant 4000 : i32
    %mul3A_25 = arith.muli %add3A_23, %mul3A_24 : i32
    %dma_start3A = tpu.memref_slice %arg3[%mul3A_25] : memref<12800000xi32, #tpu.memory_space<hbm>> -> memref<4000xi32, #tpu.memory_space<hbm>>
    %dma_start3A_26 = tpu.memref_slice %arg3[%mul3A_25] : memref<12800000xi32, #tpu.memory_space<hbm>> -> memref<4000xi32, #tpu.memory_space<hbm>>
    tpu.enqueue_dma source(%dma_start3A_26 : memref<4000xi32, #tpu.memory_space<hbm>>) target(%arg14 : memref<4000xi32, #tpu.memory_space<vmem>>) target_semaphore(%arg28 : memref<!tpu.dma_semaphore, #tpu.memory_space<semaphore_mem>>)
    %add3A_27 = arith.constant 6400000 : i32
    %add3A_28 = arith.addi %add3A_27, %mul3A_25 : i32
    %dma_start3A_29 = tpu.memref_slice %arg3[%add3A_28] : memref<12800000xi32, #tpu.memory_space<hbm>> -> memref<4000xi32, #tpu.memory_space<hbm>>
    %dma_start3A_30 = tpu.memref_slice %arg3[%add3A_28] : memref<12800000xi32, #tpu.memory_space<hbm>> -> memref<4000xi32, #tpu.memory_space<hbm>>
    tpu.enqueue_dma source(%dma_start3A_30 : memref<4000xi32, #tpu.memory_space<hbm>>) target(%arg16 : memref<4000xi32, #tpu.memory_space<vmem>>) target_semaphore(%arg28 : memref<!tpu.dma_semaphore, #tpu.memory_space<semaphore_mem>>)
    %dma_start3A_31 = tpu.memref_slice %arg4[%mul3A_25] : memref<6400000xf32, #tpu.memory_space<hbm>> -> memref<4000xf32, #tpu.memory_space<hbm>>
    %dma_start3A_32 = tpu.memref_slice %arg4[%mul3A_25] : memref<6400000xf32, #tpu.memory_space<hbm>> -> memref<4000xf32, #tpu.memory_space<hbm>>
    tpu.enqueue_dma source(%dma_start3A_32 : memref<4000xf32, #tpu.memory_space<hbm>>) target(%arg18 : memref<4000xf32, #tpu.memory_space<vmem>>) target_semaphore(%arg28 : memref<!tpu.dma_semaphore, #tpu.memory_space<semaphore_mem>>)
    %add3A_33 = arith.constant 0 : i32
    %add3A_34 = arith.addi %add3A, %add3A_33 : i32
    %mul3A_35 = arith.constant 4000 : i32
    %mul3A_36 = arith.muli %add3A_34, %mul3A_35 : i32
    %dma_wait3A = tpu.memref_slice %arg3[%mul3A_36] : memref<12800000xi32, #tpu.memory_space<hbm>> -> memref<4000xi32, #tpu.memory_space<hbm>>
    %dma_wait3A_37 = tpu.memref_slice %arg3[%mul3A_36] : memref<12800000xi32, #tpu.memory_space<hbm>> -> memref<4000xi32, #tpu.memory_space<hbm>>
    tpu.wait_dma2 semaphore(%arg28 : memref<!tpu.dma_semaphore, #tpu.memory_space<semaphore_mem>>) src(%dma_wait3A_37 : memref<4000xi32, #tpu.memory_space<hbm>>) dst(%arg14 : memref<4000xi32, #tpu.memory_space<vmem>>)
    %add3A_38 = arith.constant 6400000 : i32
    %add3A_39 = arith.addi %add3A_38, %mul3A_36 : i32
    %dma_wait3A_40 = tpu.memref_slice %arg3[%add3A_39] : memref<12800000xi32, #tpu.memory_space<hbm>> -> memref<4000xi32, #tpu.memory_space<hbm>>
    %dma_wait3A_41 = tpu.memref_slice %arg3[%add3A_39] : memref<12800000xi32, #tpu.memory_space<hbm>> -> memref<4000xi32, #tpu.memory_space<hbm>>
    tpu.wait_dma2 semaphore(%arg28 : memref<!tpu.dma_semaphore, #tpu.memory_space<semaphore_mem>>) src(%dma_wait3A_41 : memref<4000xi32, #tpu.memory_space<hbm>>) dst(%arg16 : memref<4000xi32, #tpu.memory_space<vmem>>)
    %dma_wait3A_42 = tpu.memref_slice %arg4[%mul3A_36] : memref<6400000xf32, #tpu.memory_space<hbm>> -> memref<4000xf32, #tpu.memory_space<hbm>>
    %dma_wait3A_43 = tpu.memref_slice %arg4[%mul3A_36] : memref<6400000xf32, #tpu.memory_space<hbm>> -> memref<4000xf32, #tpu.memory_space<hbm>>
    tpu.wait_dma2 semaphore(%arg28 : memref<!tpu.dma_semaphore, #tpu.memory_space<semaphore_mem>>) src(%dma_wait3A_43 : memref<4000xf32, #tpu.memory_space<hbm>>) dst(%arg18 : memref<4000xf32, #tpu.memory_space<vmem>>)
    %scan3A_44 = arith.constant 0 : i32
    %scan3A_45 = arith.constant 0 : i32
    %scan3A_46 = arith.constant 25 : i32
    %scan3A_47 = arith.addi %scan3A_45, %scan3A_46 : i32
    %scan3A_48 = arith.constant 1 : i32
    scf.for %scan3A_63 = %scan3A_45 to %scan3A_47 step %scan3A_48  : i32 {
      %mul3A_64 = arith.constant 2 : i32
      %mul3A_65 = arith.muli %scan3A_63, %mul3A_64 : i32
      %dma_start3A_66 = arith.constant 0 : i32
      %dma_start3A_67 = tpu.memref_slice %arg6[%dma_start3A_66] : memref<100352xf32, #tpu.memory_space<vmem_shared>> -> memref<100352xf32, #tpu.memory_space<vmem_shared>>
      tpu.enqueue_indirect_dma source(%dma_start3A_67 : memref<100352xf32, #tpu.memory_space<vmem_shared>>) target(%arg20 : memref<4000xf32, #tpu.memory_space<vmem>>) offsets(%arg14 : memref<4000xi32, #tpu.memory_space<vmem>>) semaphore(%arg30 : memref<!tpu.dma_semaphore, #tpu.memory_space<semaphore_mem>>)
      %dma_start3A_68 = arith.constant 0 : i32
      %dma_start3A_69 = tpu.memref_slice %arg6[%dma_start3A_68] : memref<100352xf32, #tpu.memory_space<vmem_shared>> -> memref<100352xf32, #tpu.memory_space<vmem_shared>>
      tpu.enqueue_indirect_dma source(%dma_start3A_69 : memref<100352xf32, #tpu.memory_space<vmem_shared>>) target(%arg22 : memref<4000xf32, #tpu.memory_space<vmem>>) offsets(%arg16 : memref<4000xi32, #tpu.memory_space<vmem>>) semaphore(%arg30 : memref<!tpu.dma_semaphore, #tpu.memory_space<semaphore_mem>>)
      %dma_wait3A_70 = arith.constant 0 : i32
      %dma_wait3A_71 = tpu.memref_slice %arg6[%dma_wait3A_70] : memref<100352xf32, #tpu.memory_space<vmem_shared>> -> memref<100352xf32, #tpu.memory_space<vmem_shared>>
      tpu.wait_indirect_dma semaphore(%arg30 : memref<!tpu.dma_semaphore, #tpu.memory_space<semaphore_mem>>) src(%dma_wait3A_71 : memref<100352xf32, #tpu.memory_space<vmem_shared>>) dst(%arg20 : memref<4000xf32, #tpu.memory_space<vmem>>)
      %dma_wait3A_72 = arith.constant 0 : i32
      %dma_wait3A_73 = tpu.memref_slice %arg6[%dma_wait3A_72] : memref<100352xf32, #tpu.memory_space<vmem_shared>> -> memref<100352xf32, #tpu.memory_space<vmem_shared>>
      tpu.wait_indirect_dma semaphore(%arg30 : memref<!tpu.dma_semaphore, #tpu.memory_space<semaphore_mem>>) src(%dma_wait3A_73 : memref<100352xf32, #tpu.memory_space<vmem_shared>>) dst(%arg22 : memref<4000xf32, #tpu.memory_space<vmem>>)
      %add3A_74 = arith.constant 1 : i32
      %add3A_75 = arith.addi %mul3A_65, %add3A_74 : i32
      %min3A = arith.constant 49 : i32
      %min3A_76 = arith.minsi %add3A_75, %min3A : i32
      %mul3A_77 = arith.constant 32 : i32
      %mul3A_78 = arith.muli %min3A_76, %mul3A_77 : i32
      %add3A_79 = arith.addi %add3A, %mul3A_78 : i32
      %mul3A_80 = arith.constant 4000 : i32
      %mul3A_81 = arith.muli %add3A_79, %mul3A_80 : i32
      %dma_start3A_82 = tpu.memref_slice %arg3[%mul3A_81] : memref<12800000xi32, #tpu.memory_space<hbm>> -> memref<4000xi32, #tpu.memory_space<hbm>>
      %dma_start3A_83 = tpu.memref_slice %arg3[%mul3A_81] : memref<12800000xi32, #tpu.memory_space<hbm>> -> memref<4000xi32, #tpu.memory_space<hbm>>
      tpu.enqueue_dma source(%dma_start3A_83 : memref<4000xi32, #tpu.memory_space<hbm>>) target(%arg15 : memref<4000xi32, #tpu.memory_space<vmem>>) target_semaphore(%arg29 : memref<!tpu.dma_semaphore, #tpu.memory_space<semaphore_mem>>)
      %add3A_84 = arith.constant 6400000 : i32
      %add3A_85 = arith.addi %add3A_84, %mul3A_81 : i32
      %dma_start3A_86 = tpu.memref_slice %arg3[%add3A_85] : memref<12800000xi32, #tpu.memory_space<hbm>> -> memref<4000xi32, #tpu.memory_space<hbm>>
      %dma_start3A_87 = tpu.memref_slice %arg3[%add3A_85] : memref<12800000xi32, #tpu.memory_space<hbm>> -> memref<4000xi32, #tpu.memory_space<hbm>>
      tpu.enqueue_dma source(%dma_start3A_87 : memref<4000xi32, #tpu.memory_space<hbm>>) target(%arg17 : memref<4000xi32, #tpu.memory_space<vmem>>) target_semaphore(%arg29 : memref<!tpu.dma_semaphore, #tpu.memory_space<semaphore_mem>>)
      %dma_start3A_88 = tpu.memref_slice %arg4[%mul3A_81] : memref<6400000xf32, #tpu.memory_space<hbm>> -> memref<4000xf32, #tpu.memory_space<hbm>>
      %dma_start3A_89 = tpu.memref_slice %arg4[%mul3A_81] : memref<6400000xf32, #tpu.memory_space<hbm>> -> memref<4000xf32, #tpu.memory_space<hbm>>
      tpu.enqueue_dma source(%dma_start3A_89 : memref<4000xf32, #tpu.memory_space<hbm>>) target(%arg19 : memref<4000xf32, #tpu.memory_space<vmem>>) target_semaphore(%arg29 : memref<!tpu.dma_semaphore, #tpu.memory_space<semaphore_mem>>)
      %scan3A_90 = arith.constant 0 : i32
      %scan3A_91 = arith.constant 0 : i32
      %scan3A_92 = arith.constant 50 : i32
      %scan3A_93 = arith.addi %scan3A_91, %scan3A_92 : i32
      %scan3A_94 = arith.constant 1 : i32
      scf.for %scan3A_157 = %scan3A_91 to %scan3A_93 step %scan3A_94  : i32 {
        %mul3A_158 = arith.constant 80 : i32
        %mul3A_159 = arith.muli %scan3A_157, %mul3A_158 : i32
        %add3A_160 = arith.constant 0 : i32
        %add3A_161 = arith.addi %mul3A_159, %add3A_160 : i32
        %get3A = arith.index_cast %add3A_161 : i32 to index
        %get3A_162 = tpu.vector_load %arg20[%get3A] {strides = array<i32>} : memref<4000xf32, #tpu.memory_space<vmem>>, vector<16xf32>,
        %get3A_163 = vector.shape_cast %get3A_162 : vector<16xf32> to vector<16xf32>
        %get3A_164 = arith.index_cast %add3A_161 : i32 to index
        %get3A_165 = tpu.vector_load %arg22[%get3A_164] {strides = array<i32>} : memref<4000xf32, #tpu.memory_space<vmem>>, vector<16xf32>,
        %get3A_166 = vector.shape_cast %get3A_165 : vector<16xf32> to vector<16xf32>
        %get3A_167 = arith.index_cast %add3A_161 : i32 to index
        %get3A_168 = tpu.vector_load %arg18[%get3A_167] {strides = array<i32>} : memref<4000xf32, #tpu.memory_space<vmem>>, vector<16xf32>,
        %get3A_169 = vector.shape_cast %get3A_168 : vector<16xf32> to vector<16xf32>
        %sub3A = arith.subf %get3A_163, %get3A_166 : vector<16xf32>
        %add3A_170 = arith.constant 9.99999997E-7 : f32
        %add3A_171 = vector.broadcast %add3A_170 : f32 to vector<16xf32>
        %add3A_172 = arith.addf %sub3A, %add3A_171 : vector<16xf32>
        %mul3A_173 = arith.mulf %get3A_169, %get3A_169 : vector<16xf32>
        %mul3A_174 = arith.mulf %add3A_172, %add3A_172 : vector<16xf32>
        %mul3A_175 = arith.mulf %mul3A_173, %mul3A_174 : vector<16xf32>
        %swap3A = arith.index_cast %add3A_161 : i32 to index
        %swap3A_176 = tpu.vector_load %arg24[%swap3A] {strides = array<i32>} : memref<4000xf32, #tpu.memory_space<vmem>>, vector<16xf32>,
        %swap3A_177 = vector.shape_cast %swap3A_176 : vector<16xf32> to vector<16xf32>
        %swap3A_178 = vector.shape_cast %mul3A_175 : vector<16xf32> to vector<16xf32>
        tpu.vector_store %arg24[%swap3A], %swap3A_178 {strides = array<i32>} : memref<4000xf32, #tpu.memory_space<vmem>>, vector<16xf32>,
        %mul3A_179 = arith.mulf %mul3A_175, %get3A_163 : vector<16xf32>
        %swap3A_180 = arith.index_cast %add3A_161 : i32 to index
        %swap3A_181 = tpu.vector_load %arg26[%swap3A_180] {strides = array<i32>} : memref<4000xf32, #tpu.memory_space<vmem>>, vector<16xf32>,
        %swap3A_182 = vector.shape_cast %swap3A_181 : vector<16xf32> to vector<16xf32>
        %swap3A_183 = vector.shape_cast %mul3A_179 : vector<16xf32> to vector<16xf32>
        tpu.vector_store %arg26[%swap3A_180], %swap3A_183 {strides = array<i32>} : memref<4000xf32, #tpu.memory_space<vmem>>, vector<16xf32>,
        %mul3A_184 = arith.constant 80 : i32
        %mul3A_185 = arith.muli %scan3A_157, %mul3A_184 : i32
        %add3A_186 = arith.constant 16 : i32
        %add3A_187 = arith.addi %mul3A_185, %add3A_186 : i32
        %get3A_188 = arith.index_cast %add3A_187 : i32 to index
        %get3A_189 = tpu.vector_load %arg20[%get3A_188] {strides = array<i32>} : memref<4000xf32, #tpu.memory_space<vmem>>, vector<16xf32>,
        %get3A_190 = vector.shape_cast %get3A_189 : vector<16xf32> to vector<16xf32>
        %get3A_191 = arith.index_cast %add3A_187 : i32 to index
        %get3A_192 = tpu.vector_load %arg22[%get3A_191] {strides = array<i32>} : memref<4000xf32, #tpu.memory_space<vmem>>, vector<16xf32>,
        %get3A_193 = vector.shape_cast %get3A_192 : vector<16xf32> to vector<16xf32>
        %get3A_194 = arith.index_cast %add3A_187 : i32 to index
        %get3A_195 = tpu.vector_load %arg18[%get3A_194] {strides = array<i32>} : memref<4000xf32, #tpu.memory_space<vmem>>, vector<16xf32>,
        %get3A_196 = vector.shape_cast %get3A_195 : vector<16xf32> to vector<16xf32>
        %sub3A_197 = arith.subf %get3A_190, %get3A_193 : vector<16xf32>
        %add3A_198 = arith.constant 9.99999997E-7 : f32
        %add3A_199 = vector.broadcast %add3A_198 : f32 to vector<16xf32>
        %add3A_200 = arith.addf %sub3A_197, %add3A_199 : vector<16xf32>
        %mul3A_201 = arith.mulf %get3A_196, %get3A_196 : vector<16xf32>
        %mul3A_202 = arith.mulf %add3A_200, %add3A_200 : vector<16xf32>
        %mul3A_203 = arith.mulf %mul3A_201, %mul3A_202 : vector<16xf32>
        %swap3A_204 = arith.index_cast %add3A_187 : i32 to index
        %swap3A_205 = tpu.vector_load %arg24[%swap3A_204] {strides = array<i32>} : memref<4000xf32, #tpu.memory_space<vmem>>, vector<16xf32>,
        %swap3A_206 = vector.shape_cast %swap3A_205 : vector<16xf32> to vector<16xf32>
        %swap3A_207 = vector.shape_cast %mul3A_203 : vector<16xf32> to vector<16xf32>
        tpu.vector_store %arg24[%swap3A_204], %swap3A_207 {strides = array<i32>} : memref<4000xf32, #tpu.memory_space<vmem>>, vector<16xf32>,
        %mul3A_208 = arith.mulf %mul3A_203, %get3A_190 : vector<16xf32>
        %swap3A_209 = arith.index_cast %add3A_187 : i32 to index
        %swap3A_210 = tpu.vector_load %arg26[%swap3A_209] {strides = array<i32>} : memref<4000xf32, #tpu.memory_space<vmem>>, vector<16xf32>,
        %swap3A_211 = vector.shape_cast %swap3A_210 : vector<16xf32> to vector<16xf32>
        %swap3A_212 = vector.shape_cast %mul3A_208 : vector<16xf32> to vector<16xf32>
        tpu.vector_store %arg26[%swap3A_209], %swap3A_212 {strides = array<i32>} : memref<4000xf32, #tpu.memory_space<vmem>>, vector<16xf32>,
        %mul3A_213 = arith.constant 80 : i32
        %mul3A_214 = arith.muli %scan3A_157, %mul3A_213 : i32
        %add3A_215 = arith.constant 32 : i32
        %add3A_216 = arith.addi %mul3A_214, %add3A_215 : i32
        %get3A_217 = arith.index_cast %add3A_216 : i32 to index
        %get3A_218 = tpu.vector_load %arg20[%get3A_217] {strides = array<i32>} : memref<4000xf32, #tpu.memory_space<vmem>>, vector<16xf32>,
        %get3A_219 = vector.shape_cast %get3A_218 : vector<16xf32> to vector<16xf32>
        %get3A_220 = arith.index_cast %add3A_216 : i32 to index
        %get3A_221 = tpu.vector_load %arg22[%get3A_220] {strides = array<i32>} : memref<4000xf32, #tpu.memory_space<vmem>>, vector<16xf32>,
        %get3A_222 = vector.shape_cast %get3A_221 : vector<16xf32> to vector<16xf32>
        %get3A_223 = arith.index_cast %add3A_216 : i32 to index
        %get3A_224 = tpu.vector_load %arg18[%get3A_223] {strides = array<i32>} : memref<4000xf32, #tpu.memory_space<vmem>>, vector<16xf32>,
        %get3A_225 = vector.shape_cast %get3A_224 : vector<16xf32> to vector<16xf32>
        %sub3A_226 = arith.subf %get3A_219, %get3A_222 : vector<16xf32>
        %add3A_227 = arith.constant 9.99999997E-7 : f32
        %add3A_228 = vector.broadcast %add3A_227 : f32 to vector<16xf32>
        %add3A_229 = arith.addf %sub3A_226, %add3A_228 : vector<16xf32>
        %mul3A_230 = arith.mulf %get3A_225, %get3A_225 : vector<16xf32>
        %mul3A_231 = arith.mulf %add3A_229, %add3A_229 : vector<16xf32>
        %mul3A_232 = arith.mulf %mul3A_230, %mul3A_231 : vector<16xf32>
        %swap3A_233 = arith.index_cast %add3A_216 : i32 to index
        %swap3A_234 = tpu.vector_load %arg24[%swap3A_233] {strides = array<i32>} : memref<4000xf32, #tpu.memory_space<vmem>>, vector<16xf32>,
        %swap3A_235 = vector.shape_cast %swap3A_234 : vector<16xf32> to vector<16xf32>
        %swap3A_236 = vector.shape_cast %mul3A_232 : vector<16xf32> to vector<16xf32>
        tpu.vector_store %arg24[%swap3A_233], %swap3A_236 {strides = array<i32>} : memref<4000xf32, #tpu.memory_space<vmem>>, vector<16xf32>,
        %mul3A_237 = arith.mulf %mul3A_232, %get3A_219 : vector<16xf32>
        %swap3A_238 = arith.index_cast %add3A_216 : i32 to index
        %swap3A_239 = tpu.vector_load %arg26[%swap3A_238] {strides = array<i32>} : memref<4000xf32, #tpu.memory_space<vmem>>, vector<16xf32>,
        %swap3A_240 = vector.shape_cast %swap3A_239 : vector<16xf32> to vector<16xf32>
        %swap3A_241 = vector.shape_cast %mul3A_237 : vector<16xf32> to vector<16xf32>
        tpu.vector_store %arg26[%swap3A_238], %swap3A_241 {strides = array<i32>} : memref<4000xf32, #tpu.memory_space<vmem>>, vector<16xf32>,
        %mul3A_242 = arith.constant 80 : i32
        %mul3A_243 = arith.muli %scan3A_157, %mul3A_242 : i32
        %add3A_244 = arith.constant 48 : i32
        %add3A_245 = arith.addi %mul3A_243, %add3A_244 : i32
        %get3A_246 = arith.index_cast %add3A_245 : i32 to index
        %get3A_247 = tpu.vector_load %arg20[%get3A_246] {strides = array<i32>} : memref<4000xf32, #tpu.memory_space<vmem>>, vector<16xf32>,
        %get3A_248 = vector.shape_cast %get3A_247 : vector<16xf32> to vector<16xf32>
        %get3A_249 = arith.index_cast %add3A_245 : i32 to index
        %get3A_250 = tpu.vector_load %arg22[%get3A_249] {strides = array<i32>} : memref<4000xf32, #tpu.memory_space<vmem>>, vector<16xf32>,
        %get3A_251 = vector.shape_cast %get3A_250 : vector<16xf32> to vector<16xf32>
        %get3A_252 = arith.index_cast %add3A_245 : i32 to index
        %get3A_253 = tpu.vector_load %arg18[%get3A_252] {strides = array<i32>} : memref<4000xf32, #tpu.memory_space<vmem>>, vector<16xf32>,
        %get3A_254 = vector.shape_cast %get3A_253 : vector<16xf32> to vector<16xf32>
        %sub3A_255 = arith.subf %get3A_248, %get3A_251 : vector<16xf32>
        %add3A_256 = arith.constant 9.99999997E-7 : f32
        %add3A_257 = vector.broadcast %add3A_256 : f32 to vector<16xf32>
        %add3A_258 = arith.addf %sub3A_255, %add3A_257 : vector<16xf32>
        %mul3A_259 = arith.mulf %get3A_254, %get3A_254 : vector<16xf32>
        %mul3A_260 = arith.mulf %add3A_258, %add3A_258 : vector<16xf32>
        %mul3A_261 = arith.mulf %mul3A_259, %mul3A_260 : vector<16xf32>
        %swap3A_262 = arith.index_cast %add3A_245 : i32 to index
        %swap3A_263 = tpu.vector_load %arg24[%swap3A_262] {strides = array<i32>} : memref<4000xf32, #tpu.memory_space<vmem>>, vector<16xf32>,
        %swap3A_264 = vector.shape_cast %swap3A_263 : vector<16xf32> to vector<16xf32>
        %swap3A_265 = vector.shape_cast %mul3A_261 : vector<16xf32> to vector<16xf32>
        tpu.vector_store %arg24[%swap3A_262], %swap3A_265 {strides = array<i32>} : memref<4000xf32, #tpu.memory_space<vmem>>, vector<16xf32>,
        %mul3A_266 = arith.mulf %mul3A_261, %get3A_248 : vector<16xf32>
        %swap3A_267 = arith.index_cast %add3A_245 : i32 to index
        %swap3A_268 = tpu.vector_load %arg26[%swap3A_267] {strides = array<i32>} : memref<4000xf32, #tpu.memory_space<vmem>>, vector<16xf32>,
        %swap3A_269 = vector.shape_cast %swap3A_268 : vector<16xf32> to vector<16xf32>
        %swap3A_270 = vector.shape_cast %mul3A_266 : vector<16xf32> to vector<16xf32>
        tpu.vector_store %arg26[%swap3A_267], %swap3A_270 {strides = array<i32>} : memref<4000xf32, #tpu.memory_space<vmem>>, vector<16xf32>,
        %mul3A_271 = arith.constant 80 : i32
        %mul3A_272 = arith.muli %scan3A_157, %mul3A_271 : i32
        %add3A_273 = arith.constant 64 : i32
        %add3A_274 = arith.addi %mul3A_272, %add3A_273 : i32
        %get3A_275 = arith.index_cast %add3A_274 : i32 to index
        %get3A_276 = tpu.vector_load %arg20[%get3A_275] {strides = array<i32>} : memref<4000xf32, #tpu.memory_space<vmem>>, vector<16xf32>,
        %get3A_277 = vector.shape_cast %get3A_276 : vector<16xf32> to vector<16xf32>
        %get3A_278 = arith.index_cast %add3A_274 : i32 to index
        %get3A_279 = tpu.vector_load %arg22[%get3A_278] {strides = array<i32>} : memref<4000xf32, #tpu.memory_space<vmem>>, vector<16xf32>,
        %get3A_280 = vector.shape_cast %get3A_279 : vector<16xf32> to vector<16xf32>
        %get3A_281 = arith.index_cast %add3A_274 : i32 to index
        %get3A_282 = tpu.vector_load %arg18[%get3A_281] {strides = array<i32>} : memref<4000xf32, #tpu.memory_space<vmem>>, vector<16xf32>,
        %get3A_283 = vector.shape_cast %get3A_282 : vector<16xf32> to vector<16xf32>
        %sub3A_284 = arith.subf %get3A_277, %get3A_280 : vector<16xf32>
        %add3A_285 = arith.constant 9.99999997E-7 : f32
        %add3A_286 = vector.broadcast %add3A_285 : f32 to vector<16xf32>
        %add3A_287 = arith.addf %sub3A_284, %add3A_286 : vector<16xf32>
        %mul3A_288 = arith.mulf %get3A_283, %get3A_283 : vector<16xf32>
        %mul3A_289 = arith.mulf %add3A_287, %add3A_287 : vector<16xf32>
        %mul3A_290 = arith.mulf %mul3A_288, %mul3A_289 : vector<16xf32>
        %swap3A_291 = arith.index_cast %add3A_274 : i32 to index
        %swap3A_292 = tpu.vector_load %arg24[%swap3A_291] {strides = array<i32>} : memref<4000xf32, #tpu.memory_space<vmem>>, vector<16xf32>,
        %swap3A_293 = vector.shape_cast %swap3A_292 : vector<16xf32> to vector<16xf32>
        %swap3A_294 = vector.shape_cast %mul3A_290 : vector<16xf32> to vector<16xf32>
        tpu.vector_store %arg24[%swap3A_291], %swap3A_294 {strides = array<i32>} : memref<4000xf32, #tpu.memory_space<vmem>>, vector<16xf32>,
        %mul3A_295 = arith.mulf %mul3A_290, %get3A_277 : vector<16xf32>
        %swap3A_296 = arith.index_cast %add3A_274 : i32 to index
        %swap3A_297 = tpu.vector_load %arg26[%swap3A_296] {strides = array<i32>} : memref<4000xf32, #tpu.memory_space<vmem>>, vector<16xf32>,
        %swap3A_298 = vector.shape_cast %swap3A_297 : vector<16xf32> to vector<16xf32>
        %swap3A_299 = vector.shape_cast %mul3A_295 : vector<16xf32> to vector<16xf32>
        tpu.vector_store %arg26[%swap3A_296], %swap3A_299 {strides = array<i32>} : memref<4000xf32, #tpu.memory_space<vmem>>, vector<16xf32>,
      }
      %scan3A_95 = arith.constant 50 : i32
      %mul3A_96 = arith.constant 32 : i32
      %mul3A_97 = arith.muli %min3A_76, %mul3A_96 : i32
      %add3A_98 = arith.addi %add3A, %mul3A_97 : i32
      %mul3A_99 = arith.constant 4000 : i32
      %mul3A_100 = arith.muli %add3A_98, %mul3A_99 : i32
      %dma_wait3A_101 = tpu.memref_slice %arg3[%mul3A_100] : memref<12800000xi32, #tpu.memory_space<hbm>> -> memref<4000xi32, #tpu.memory_space<hbm>>
      %dma_wait3A_102 = tpu.memref_slice %arg3[%mul3A_100] : memref<12800000xi32, #tpu.memory_space<hbm>> -> memref<4000xi32, #tpu.memory_space<hbm>>
      tpu.wait_dma2 semaphore(%arg29 : memref<!tpu.dma_semaphore, #tpu.memory_space<semaphore_mem>>) src(%dma_wait3A_102 : memref<4000xi32, #tpu.memory_space<hbm>>) dst(%arg15 : memref<4000xi32, #tpu.memory_space<vmem>>)
      %add3A_103 = arith.constant 6400000 : i32
      %add3A_104 = arith.addi %add3A_103, %mul3A_100 : i32
      %dma_wait3A_105 = tpu.memref_slice %arg3[%add3A_104] : memref<12800000xi32, #tpu.memory_space<hbm>> -> memref<4000xi32, #tpu.memory_space<hbm>>
      %dma_wait3A_106 = tpu.memref_slice %arg3[%add3A_104] : memref<12800000xi32, #tpu.memory_space<hbm>> -> memref<4000xi32, #tpu.memory_space<hbm>>
      tpu.wait_dma2 semaphore(%arg29 : memref<!tpu.dma_semaphore, #tpu.memory_space<semaphore_mem>>) src(%dma_wait3A_106 : memref<4000xi32, #tpu.memory_space<hbm>>) dst(%arg17 : memref<4000xi32, #tpu.memory_space<vmem>>)
      %dma_wait3A_107 = tpu.memref_slice %arg4[%mul3A_100] : memref<6400000xf32, #tpu.memory_space<hbm>> -> memref<4000xf32, #tpu.memory_space<hbm>>
      %dma_wait3A_108 = tpu.memref_slice %arg4[%mul3A_100] : memref<6400000xf32, #tpu.memory_space<hbm>> -> memref<4000xf32, #tpu.memory_space<hbm>>
      tpu.wait_dma2 semaphore(%arg29 : memref<!tpu.dma_semaphore, #tpu.memory_space<semaphore_mem>>) src(%dma_wait3A_108 : memref<4000xf32, #tpu.memory_space<hbm>>) dst(%arg19 : memref<4000xf32, #tpu.memory_space<vmem>>)
      "tpu.region"() ({
        %run_scoped3A = tpu.sem_alloc : memref<!tpu.dma_semaphore, #tpu.memory_space<semaphore_mem>>
        %dma_start3A_157 = arith.constant 0 : i32
        %dma_start3A_158 = tpu.memref_slice %arg7[%dma_start3A_157] : memref<100352xf32, #tpu.memory_space<vmem_shared>> -> memref<100352xf32, #tpu.memory_space<vmem_shared>>
        tpu.enqueue_indirect_dma source(%arg24 : memref<4000xf32, #tpu.memory_space<vmem>>) target(%dma_start3A_158 : memref<100352xf32, #tpu.memory_space<vmem_shared>>) offsets(%arg16 : memref<4000xi32, #tpu.memory_space<vmem>>) semaphore(%run_scoped3A : memref<!tpu.dma_semaphore, #tpu.memory_space<semaphore_mem>>) {add = true}
        %dma_wait3A_159 = arith.constant 0 : i32
        %dma_wait3A_160 = tpu.memref_slice %arg7[%dma_wait3A_159] : memref<100352xf32, #tpu.memory_space<vmem_shared>> -> memref<100352xf32, #tpu.memory_space<vmem_shared>>
        tpu.wait_indirect_dma semaphore(%run_scoped3A : memref<!tpu.dma_semaphore, #tpu.memory_space<semaphore_mem>>) src(%arg24 : memref<4000xf32, #tpu.memory_space<vmem>>) dst(%dma_wait3A_160 : memref<100352xf32, #tpu.memory_space<vmem_shared>>)
        tpu.yield
      }) : () -> ()
      "tpu.region"() ({
        %run_scoped3A = tpu.sem_alloc : memref<!tpu.dma_semaphore, #tpu.memory_space<semaphore_mem>>
        %dma_start3A_157 = arith.constant 0 : i32
        %dma_start3A_158 = tpu.memref_slice %arg8[%dma_start3A_157] : memref<100352xf32, #tpu.memory_space<vmem_shared>> -> memref<100352xf32, #tpu.memory_space<vmem_shared>>
        tpu.enqueue_indirect_dma source(%arg26 : memref<4000xf32, #tpu.memory_space<vmem>>) target(%dma_start3A_158 : memref<100352xf32, #tpu.memory_space<vmem_shared>>) offsets(%arg16 : memref<4000xi32, #tpu.memory_space<vmem>>) semaphore(%run_scoped3A : memref<!tpu.dma_semaphore, #tpu.memory_space<semaphore_mem>>) {add = true}
        %dma_wait3A_159 = arith.constant 0 : i32
        %dma_wait3A_160 = tpu.memref_slice %arg8[%dma_wait3A_159] : memref<100352xf32, #tpu.memory_space<vmem_shared>> -> memref<100352xf32, #tpu.memory_space<vmem_shared>>
        tpu.wait_indirect_dma semaphore(%run_scoped3A : memref<!tpu.dma_semaphore, #tpu.memory_space<semaphore_mem>>) src(%arg26 : memref<4000xf32, #tpu.memory_space<vmem>>) dst(%dma_wait3A_160 : memref<100352xf32, #tpu.memory_space<vmem_shared>>)
        tpu.yield
      }) : () -> ()
      %mul3A_109 = arith.constant 2 : i32
      %mul3A_110 = arith.muli %scan3A_63, %mul3A_109 : i32
      %add3A_111 = arith.constant 1 : i32
      %add3A_112 = arith.addi %mul3A_110, %add3A_111 : i32
      %dma_start3A_113 = arith.constant 0 : i32
      %dma_start3A_114 = tpu.memref_slice %arg6[%dma_start3A_113] : memref<100352xf32, #tpu.memory_space<vmem_shared>> -> memref<100352xf32, #tpu.memory_space<vmem_shared>>
      tpu.enqueue_indirect_dma source(%dma_start3A_114 : memref<100352xf32, #tpu.memory_space<vmem_shared>>) target(%arg21 : memref<4000xf32, #tpu.memory_space<vmem>>) offsets(%arg15 : memref<4000xi32, #tpu.memory_space<vmem>>) semaphore(%arg31 : memref<!tpu.dma_semaphore, #tpu.memory_space<semaphore_mem>>)
      %dma_start3A_115 = arith.constant 0 : i32
      %dma_start3A_116 = tpu.memref_slice %arg6[%dma_start3A_115] : memref<100352xf32, #tpu.memory_space<vmem_shared>> -> memref<100352xf32, #tpu.memory_space<vmem_shared>>
      tpu.enqueue_indirect_dma source(%dma_start3A_116 : memref<100352xf32, #tpu.memory_space<vmem_shared>>) target(%arg23 : memref<4000xf32, #tpu.memory_space<vmem>>) offsets(%arg17 : memref<4000xi32, #tpu.memory_space<vmem>>) semaphore(%arg31 : memref<!tpu.dma_semaphore, #tpu.memory_space<semaphore_mem>>)
      %dma_wait3A_117 = arith.constant 0 : i32
      %dma_wait3A_118 = tpu.memref_slice %arg6[%dma_wait3A_117] : memref<100352xf32, #tpu.memory_space<vmem_shared>> -> memref<100352xf32, #tpu.memory_space<vmem_shared>>
      tpu.wait_indirect_dma semaphore(%arg31 : memref<!tpu.dma_semaphore, #tpu.memory_space<semaphore_mem>>) src(%dma_wait3A_118 : memref<100352xf32, #tpu.memory_space<vmem_shared>>) dst(%arg21 : memref<4000xf32, #tpu.memory_space<vmem>>)
      %dma_wait3A_119 = arith.constant 0 : i32
      %dma_wait3A_120 = tpu.memref_slice %arg6[%dma_wait3A_119] : memref<100352xf32, #tpu.memory_space<vmem_shared>> -> memref<100352xf32, #tpu.memory_space<vmem_shared>>
      tpu.wait_indirect_dma semaphore(%arg31 : memref<!tpu.dma_semaphore, #tpu.memory_space<semaphore_mem>>) src(%dma_wait3A_120 : memref<100352xf32, #tpu.memory_space<vmem_shared>>) dst(%arg23 : memref<4000xf32, #tpu.memory_space<vmem>>)
      %add3A_121 = arith.constant 1 : i32
      %add3A_122 = arith.addi %add3A_112, %add3A_121 : i32
      %min3A_123 = arith.constant 49 : i32
      %min3A_124 = arith.minsi %add3A_122, %min3A_123 : i32
      %mul3A_125 = arith.constant 32 : i32
      %mul3A_126 = arith.muli %min3A_124, %mul3A_125 : i32
      %add3A_127 = arith.addi %add3A, %mul3A_126 : i32
      %mul3A_128 = arith.constant 4000 : i32
      %mul3A_129 = arith.muli %add3A_127, %mul3A_128 : i32
      %dma_start3A_130 = tpu.memref_slice %arg3[%mul3A_129] : memref<12800000xi32, #tpu.memory_space<hbm>> -> memref<4000xi32, #tpu.memory_space<hbm>>
      %dma_start3A_131 = tpu.memref_slice %arg3[%mul3A_129] : memref<12800000xi32, #tpu.memory_space<hbm>> -> memref<4000xi32, #tpu.memory_space<hbm>>
      tpu.enqueue_dma source(%dma_start3A_131 : memref<4000xi32, #tpu.memory_space<hbm>>) target(%arg14 : memref<4000xi32, #tpu.memory_space<vmem>>) target_semaphore(%arg28 : memref<!tpu.dma_semaphore, #tpu.memory_space<semaphore_mem>>)
      %add3A_132 = arith.constant 6400000 : i32
      %add3A_133 = arith.addi %add3A_132, %mul3A_129 : i32
      %dma_start3A_134 = tpu.memref_slice %arg3[%add3A_133] : memref<12800000xi32, #tpu.memory_space<hbm>> -> memref<4000xi32, #tpu.memory_space<hbm>>
      %dma_start3A_135 = tpu.memref_slice %arg3[%add3A_133] : memref<12800000xi32, #tpu.memory_space<hbm>> -> memref<4000xi32, #tpu.memory_space<hbm>>
      tpu.enqueue_dma source(%dma_start3A_135 : memref<4000xi32, #tpu.memory_space<hbm>>) target(%arg16 : memref<4000xi32, #tpu.memory_space<vmem>>) target_semaphore(%arg28 : memref<!tpu.dma_semaphore, #tpu.memory_space<semaphore_mem>>)
      %dma_start3A_136 = tpu.memref_slice %arg4[%mul3A_129] : memref<6400000xf32, #tpu.memory_space<hbm>> -> memref<4000xf32, #tpu.memory_space<hbm>>
      %dma_start3A_137 = tpu.memref_slice %arg4[%mul3A_129] : memref<6400000xf32, #tpu.memory_space<hbm>> -> memref<4000xf32, #tpu.memory_space<hbm>>
      tpu.enqueue_dma source(%dma_start3A_137 : memref<4000xf32, #tpu.memory_space<hbm>>) target(%arg18 : memref<4000xf32, #tpu.memory_space<vmem>>) target_semaphore(%arg28 : memref<!tpu.dma_semaphore, #tpu.memory_space<semaphore_mem>>)
      %scan3A_138 = arith.constant 0 : i32
      %scan3A_139 = arith.constant 0 : i32
      %scan3A_140 = arith.constant 50 : i32
      %scan3A_141 = arith.addi %scan3A_139, %scan3A_140 : i32
      %scan3A_142 = arith.constant 1 : i32
      scf.for %scan3A_157 = %scan3A_139 to %scan3A_141 step %scan3A_142  : i32 {
        %mul3A_158 = arith.constant 80 : i32
        %mul3A_159 = arith.muli %scan3A_157, %mul3A_158 : i32
        %add3A_160 = arith.constant 0 : i32
        %add3A_161 = arith.addi %mul3A_159, %add3A_160 : i32
        %get3A = arith.index_cast %add3A_161 : i32 to index
        %get3A_162 = tpu.vector_load %arg21[%get3A] {strides = array<i32>} : memref<4000xf32, #tpu.memory_space<vmem>>, vector<16xf32>,
        %get3A_163 = vector.shape_cast %get3A_162 : vector<16xf32> to vector<16xf32>
        %get3A_164 = arith.index_cast %add3A_161 : i32 to index
        %get3A_165 = tpu.vector_load %arg23[%get3A_164] {strides = array<i32>} : memref<4000xf32, #tpu.memory_space<vmem>>, vector<16xf32>,
        %get3A_166 = vector.shape_cast %get3A_165 : vector<16xf32> to vector<16xf32>
        %get3A_167 = arith.index_cast %add3A_161 : i32 to index
        %get3A_168 = tpu.vector_load %arg19[%get3A_167] {strides = array<i32>} : memref<4000xf32, #tpu.memory_space<vmem>>, vector<16xf32>,
        %get3A_169 = vector.shape_cast %get3A_168 : vector<16xf32> to vector<16xf32>
        %sub3A = arith.subf %get3A_163, %get3A_166 : vector<16xf32>
        %add3A_170 = arith.constant 9.99999997E-7 : f32
        %add3A_171 = vector.broadcast %add3A_170 : f32 to vector<16xf32>
        %add3A_172 = arith.addf %sub3A, %add3A_171 : vector<16xf32>
        %mul3A_173 = arith.mulf %get3A_169, %get3A_169 : vector<16xf32>
        %mul3A_174 = arith.mulf %add3A_172, %add3A_172 : vector<16xf32>
        %mul3A_175 = arith.mulf %mul3A_173, %mul3A_174 : vector<16xf32>
        %swap3A = arith.index_cast %add3A_161 : i32 to index
        %swap3A_176 = tpu.vector_load %arg25[%swap3A] {strides = array<i32>} : memref<4000xf32, #tpu.memory_space<vmem>>, vector<16xf32>,
        %swap3A_177 = vector.shape_cast %swap3A_176 : vector<16xf32> to vector<16xf32>
        %swap3A_178 = vector.shape_cast %mul3A_175 : vector<16xf32> to vector<16xf32>
        tpu.vector_store %arg25[%swap3A], %swap3A_178 {strides = array<i32>} : memref<4000xf32, #tpu.memory_space<vmem>>, vector<16xf32>,
        %mul3A_179 = arith.mulf %mul3A_175, %get3A_163 : vector<16xf32>
        %swap3A_180 = arith.index_cast %add3A_161 : i32 to index
        %swap3A_181 = tpu.vector_load %arg27[%swap3A_180] {strides = array<i32>} : memref<4000xf32, #tpu.memory_space<vmem>>, vector<16xf32>,
        %swap3A_182 = vector.shape_cast %swap3A_181 : vector<16xf32> to vector<16xf32>
        %swap3A_183 = vector.shape_cast %mul3A_179 : vector<16xf32> to vector<16xf32>
        tpu.vector_store %arg27[%swap3A_180], %swap3A_183 {strides = array<i32>} : memref<4000xf32, #tpu.memory_space<vmem>>, vector<16xf32>,
        %mul3A_184 = arith.constant 80 : i32
        %mul3A_185 = arith.muli %scan3A_157, %mul3A_184 : i32
        %add3A_186 = arith.constant 16 : i32
        %add3A_187 = arith.addi %mul3A_185, %add3A_186 : i32
        %get3A_188 = arith.index_cast %add3A_187 : i32 to index
        %get3A_189 = tpu.vector_load %arg21[%get3A_188] {strides = array<i32>} : memref<4000xf32, #tpu.memory_space<vmem>>, vector<16xf32>,
        %get3A_190 = vector.shape_cast %get3A_189 : vector<16xf32> to vector<16xf32>
        %get3A_191 = arith.index_cast %add3A_187 : i32 to index
        %get3A_192 = tpu.vector_load %arg23[%get3A_191] {strides = array<i32>} : memref<4000xf32, #tpu.memory_space<vmem>>, vector<16xf32>,
        %get3A_193 = vector.shape_cast %get3A_192 : vector<16xf32> to vector<16xf32>
        %get3A_194 = arith.index_cast %add3A_187 : i32 to index
        %get3A_195 = tpu.vector_load %arg19[%get3A_194] {strides = array<i32>} : memref<4000xf32, #tpu.memory_space<vmem>>, vector<16xf32>,
        %get3A_196 = vector.shape_cast %get3A_195 : vector<16xf32> to vector<16xf32>
        %sub3A_197 = arith.subf %get3A_190, %get3A_193 : vector<16xf32>
        %add3A_198 = arith.constant 9.99999997E-7 : f32
        %add3A_199 = vector.broadcast %add3A_198 : f32 to vector<16xf32>
        %add3A_200 = arith.addf %sub3A_197, %add3A_199 : vector<16xf32>
        %mul3A_201 = arith.mulf %get3A_196, %get3A_196 : vector<16xf32>
        %mul3A_202 = arith.mulf %add3A_200, %add3A_200 : vector<16xf32>
        %mul3A_203 = arith.mulf %mul3A_201, %mul3A_202 : vector<16xf32>
        %swap3A_204 = arith.index_cast %add3A_187 : i32 to index
        %swap3A_205 = tpu.vector_load %arg25[%swap3A_204] {strides = array<i32>} : memref<4000xf32, #tpu.memory_space<vmem>>, vector<16xf32>,
        %swap3A_206 = vector.shape_cast %swap3A_205 : vector<16xf32> to vector<16xf32>
        %swap3A_207 = vector.shape_cast %mul3A_203 : vector<16xf32> to vector<16xf32>
        tpu.vector_store %arg25[%swap3A_204], %swap3A_207 {strides = array<i32>} : memref<4000xf32, #tpu.memory_space<vmem>>, vector<16xf32>,
        %mul3A_208 = arith.mulf %mul3A_203, %get3A_190 : vector<16xf32>
        %swap3A_209 = arith.index_cast %add3A_187 : i32 to index
        %swap3A_210 = tpu.vector_load %arg27[%swap3A_209] {strides = array<i32>} : memref<4000xf32, #tpu.memory_space<vmem>>, vector<16xf32>,
        %swap3A_211 = vector.shape_cast %swap3A_210 : vector<16xf32> to vector<16xf32>
        %swap3A_212 = vector.shape_cast %mul3A_208 : vector<16xf32> to vector<16xf32>
        tpu.vector_store %arg27[%swap3A_209], %swap3A_212 {strides = array<i32>} : memref<4000xf32, #tpu.memory_space<vmem>>, vector<16xf32>,
        %mul3A_213 = arith.constant 80 : i32
        %mul3A_214 = arith.muli %scan3A_157, %mul3A_213 : i32
        %add3A_215 = arith.constant 32 : i32
        %add3A_216 = arith.addi %mul3A_214, %add3A_215 : i32
        %get3A_217 = arith.index_cast %add3A_216 : i32 to index
        %get3A_218 = tpu.vector_load %arg21[%get3A_217] {strides = array<i32>} : memref<4000xf32, #tpu.memory_space<vmem>>, vector<16xf32>,
        %get3A_219 = vector.shape_cast %get3A_218 : vector<16xf32> to vector<16xf32>
        %get3A_220 = arith.index_cast %add3A_216 : i32 to index
        %get3A_221 = tpu.vector_load %arg23[%get3A_220] {strides = array<i32>} : memref<4000xf32, #tpu.memory_space<vmem>>, vector<16xf32>,
        %get3A_222 = vector.shape_cast %get3A_221 : vector<16xf32> to vector<16xf32>
        %get3A_223 = arith.index_cast %add3A_216 : i32 to index
        %get3A_224 = tpu.vector_load %arg19[%get3A_223] {strides = array<i32>} : memref<4000xf32, #tpu.memory_space<vmem>>, vector<16xf32>,
        %get3A_225 = vector.shape_cast %get3A_224 : vector<16xf32> to vector<16xf32>
        %sub3A_226 = arith.subf %get3A_219, %get3A_222 : vector<16xf32>
        %add3A_227 = arith.constant 9.99999997E-7 : f32
        %add3A_228 = vector.broadcast %add3A_227 : f32 to vector<16xf32>
        %add3A_229 = arith.addf %sub3A_226, %add3A_228 : vector<16xf32>
        %mul3A_230 = arith.mulf %get3A_225, %get3A_225 : vector<16xf32>
        %mul3A_231 = arith.mulf %add3A_229, %add3A_229 : vector<16xf32>
        %mul3A_232 = arith.mulf %mul3A_230, %mul3A_231 : vector<16xf32>
        %swap3A_233 = arith.index_cast %add3A_216 : i32 to index
        %swap3A_234 = tpu.vector_load %arg25[%swap3A_233] {strides = array<i32>} : memref<4000xf32, #tpu.memory_space<vmem>>, vector<16xf32>,
        %swap3A_235 = vector.shape_cast %swap3A_234 : vector<16xf32> to vector<16xf32>
        %swap3A_236 = vector.shape_cast %mul3A_232 : vector<16xf32> to vector<16xf32>
        tpu.vector_store %arg25[%swap3A_233], %swap3A_236 {strides = array<i32>} : memref<4000xf32, #tpu.memory_space<vmem>>, vector<16xf32>,
        %mul3A_237 = arith.mulf %mul3A_232, %get3A_219 : vector<16xf32>
        %swap3A_238 = arith.index_cast %add3A_216 : i32 to index
        %swap3A_239 = tpu.vector_load %arg27[%swap3A_238] {strides = array<i32>} : memref<4000xf32, #tpu.memory_space<vmem>>, vector<16xf32>,
        %swap3A_240 = vector.shape_cast %swap3A_239 : vector<16xf32> to vector<16xf32>
        %swap3A_241 = vector.shape_cast %mul3A_237 : vector<16xf32> to vector<16xf32>
        tpu.vector_store %arg27[%swap3A_238], %swap3A_241 {strides = array<i32>} : memref<4000xf32, #tpu.memory_space<vmem>>, vector<16xf32>,
        %mul3A_242 = arith.constant 80 : i32
        %mul3A_243 = arith.muli %scan3A_157, %mul3A_242 : i32
        %add3A_244 = arith.constant 48 : i32
        %add3A_245 = arith.addi %mul3A_243, %add3A_244 : i32
        %get3A_246 = arith.index_cast %add3A_245 : i32 to index
        %get3A_247 = tpu.vector_load %arg21[%get3A_246] {strides = array<i32>} : memref<4000xf32, #tpu.memory_space<vmem>>, vector<16xf32>,
        %get3A_248 = vector.shape_cast %get3A_247 : vector<16xf32> to vector<16xf32>
        %get3A_249 = arith.index_cast %add3A_245 : i32 to index
        %get3A_250 = tpu.vector_load %arg23[%get3A_249] {strides = array<i32>} : memref<4000xf32, #tpu.memory_space<vmem>>, vector<16xf32>,
        %get3A_251 = vector.shape_cast %get3A_250 : vector<16xf32> to vector<16xf32>
        %get3A_252 = arith.index_cast %add3A_245 : i32 to index
        %get3A_253 = tpu.vector_load %arg19[%get3A_252] {strides = array<i32>} : memref<4000xf32, #tpu.memory_space<vmem>>, vector<16xf32>,
        %get3A_254 = vector.shape_cast %get3A_253 : vector<16xf32> to vector<16xf32>
        %sub3A_255 = arith.subf %get3A_248, %get3A_251 : vector<16xf32>
        %add3A_256 = arith.constant 9.99999997E-7 : f32
        %add3A_257 = vector.broadcast %add3A_256 : f32 to vector<16xf32>
        %add3A_258 = arith.addf %sub3A_255, %add3A_257 : vector<16xf32>
        %mul3A_259 = arith.mulf %get3A_254, %get3A_254 : vector<16xf32>
        %mul3A_260 = arith.mulf %add3A_258, %add3A_258 : vector<16xf32>
        %mul3A_261 = arith.mulf %mul3A_259, %mul3A_260 : vector<16xf32>
        %swap3A_262 = arith.index_cast %add3A_245 : i32 to index
        %swap3A_263 = tpu.vector_load %arg25[%swap3A_262] {strides = array<i32>} : memref<4000xf32, #tpu.memory_space<vmem>>, vector<16xf32>,
        %swap3A_264 = vector.shape_cast %swap3A_263 : vector<16xf32> to vector<16xf32>
        %swap3A_265 = vector.shape_cast %mul3A_261 : vector<16xf32> to vector<16xf32>
        tpu.vector_store %arg25[%swap3A_262], %swap3A_265 {strides = array<i32>} : memref<4000xf32, #tpu.memory_space<vmem>>, vector<16xf32>,
        %mul3A_266 = arith.mulf %mul3A_261, %get3A_248 : vector<16xf32>
        %swap3A_267 = arith.index_cast %add3A_245 : i32 to index
        %swap3A_268 = tpu.vector_load %arg27[%swap3A_267] {strides = array<i32>} : memref<4000xf32, #tpu.memory_space<vmem>>, vector<16xf32>,
        %swap3A_269 = vector.shape_cast %swap3A_268 : vector<16xf32> to vector<16xf32>
        %swap3A_270 = vector.shape_cast %mul3A_266 : vector<16xf32> to vector<16xf32>
        tpu.vector_store %arg27[%swap3A_267], %swap3A_270 {strides = array<i32>} : memref<4000xf32, #tpu.memory_space<vmem>>, vector<16xf32>,
        %mul3A_271 = arith.constant 80 : i32
        %mul3A_272 = arith.muli %scan3A_157, %mul3A_271 : i32
        %add3A_273 = arith.constant 64 : i32
        %add3A_274 = arith.addi %mul3A_272, %add3A_273 : i32
        %get3A_275 = arith.index_cast %add3A_274 : i32 to index
        %get3A_276 = tpu.vector_load %arg21[%get3A_275] {strides = array<i32>} : memref<4000xf32, #tpu.memory_space<vmem>>, vector<16xf32>,
        %get3A_277 = vector.shape_cast %get3A_276 : vector<16xf32> to vector<16xf32>
        %get3A_278 = arith.index_cast %add3A_274 : i32 to index
        %get3A_279 = tpu.vector_load %arg23[%get3A_278] {strides = array<i32>} : memref<4000xf32, #tpu.memory_space<vmem>>, vector<16xf32>,
        %get3A_280 = vector.shape_cast %get3A_279 : vector<16xf32> to vector<16xf32>
        %get3A_281 = arith.index_cast %add3A_274 : i32 to index
        %get3A_282 = tpu.vector_load %arg19[%get3A_281] {strides = array<i32>} : memref<4000xf32, #tpu.memory_space<vmem>>, vector<16xf32>,
        %get3A_283 = vector.shape_cast %get3A_282 : vector<16xf32> to vector<16xf32>
        %sub3A_284 = arith.subf %get3A_277, %get3A_280 : vector<16xf32>
        %add3A_285 = arith.constant 9.99999997E-7 : f32
        %add3A_286 = vector.broadcast %add3A_285 : f32 to vector<16xf32>
        %add3A_287 = arith.addf %sub3A_284, %add3A_286 : vector<16xf32>
        %mul3A_288 = arith.mulf %get3A_283, %get3A_283 : vector<16xf32>
        %mul3A_289 = arith.mulf %add3A_287, %add3A_287 : vector<16xf32>
        %mul3A_290 = arith.mulf %mul3A_288, %mul3A_289 : vector<16xf32>
        %swap3A_291 = arith.index_cast %add3A_274 : i32 to index
        %swap3A_292 = tpu.vector_load %arg25[%swap3A_291] {strides = array<i32>} : memref<4000xf32, #tpu.memory_space<vmem>>, vector<16xf32>,
        %swap3A_293 = vector.shape_cast %swap3A_292 : vector<16xf32> to vector<16xf32>
        %swap3A_294 = vector.shape_cast %mul3A_290 : vector<16xf32> to vector<16xf32>
        tpu.vector_store %arg25[%swap3A_291], %swap3A_294 {strides = array<i32>} : memref<4000xf32, #tpu.memory_space<vmem>>, vector<16xf32>,
        %mul3A_295 = arith.mulf %mul3A_290, %get3A_277 : vector<16xf32>
        %swap3A_296 = arith.index_cast %add3A_274 : i32 to index
        %swap3A_297 = tpu.vector_load %arg27[%swap3A_296] {strides = array<i32>} : memref<4000xf32, #tpu.memory_space<vmem>>, vector<16xf32>,
        %swap3A_298 = vector.shape_cast %swap3A_297 : vector<16xf32> to vector<16xf32>
        %swap3A_299 = vector.shape_cast %mul3A_295 : vector<16xf32> to vector<16xf32>
        tpu.vector_store %arg27[%swap3A_296], %swap3A_299 {strides = array<i32>} : memref<4000xf32, #tpu.memory_space<vmem>>, vector<16xf32>,
      }
      %scan3A_143 = arith.constant 50 : i32
      %mul3A_144 = arith.constant 32 : i32
      %mul3A_145 = arith.muli %min3A_124, %mul3A_144 : i32
      %add3A_146 = arith.addi %add3A, %mul3A_145 : i32
      %mul3A_147 = arith.constant 4000 : i32
      %mul3A_148 = arith.muli %add3A_146, %mul3A_147 : i32
      %dma_wait3A_149 = tpu.memref_slice %arg3[%mul3A_148] : memref<12800000xi32, #tpu.memory_space<hbm>> -> memref<4000xi32, #tpu.memory_space<hbm>>
      %dma_wait3A_150 = tpu.memref_slice %arg3[%mul3A_148] : memref<12800000xi32, #tpu.memory_space<hbm>> -> memref<4000xi32, #tpu.memory_space<hbm>>
      tpu.wait_dma2 semaphore(%arg28 : memref<!tpu.dma_semaphore, #tpu.memory_space<semaphore_mem>>) src(%dma_wait3A_150 : memref<4000xi32, #tpu.memory_space<hbm>>) dst(%arg14 : memref<4000xi32, #tpu.memory_space<vmem>>)
      %add3A_151 = arith.constant 6400000 : i32
      %add3A_152 = arith.addi %add3A_151, %mul3A_148 : i32
      %dma_wait3A_153 = tpu.memref_slice %arg3[%add3A_152] : memref<12800000xi32, #tpu.memory_space<hbm>> -> memref<4000xi32, #tpu.memory_space<hbm>>
      %dma_wait3A_154 = tpu.memref_slice %arg3[%add3A_152] : memref<12800000xi32, #tpu.memory_space<hbm>> -> memref<4000xi32, #tpu.memory_space<hbm>>
      tpu.wait_dma2 semaphore(%arg28 : memref<!tpu.dma_semaphore, #tpu.memory_space<semaphore_mem>>) src(%dma_wait3A_154 : memref<4000xi32, #tpu.memory_space<hbm>>) dst(%arg16 : memref<4000xi32, #tpu.memory_space<vmem>>)
      %dma_wait3A_155 = tpu.memref_slice %arg4[%mul3A_148] : memref<6400000xf32, #tpu.memory_space<hbm>> -> memref<4000xf32, #tpu.memory_space<hbm>>
      %dma_wait3A_156 = tpu.memref_slice %arg4[%mul3A_148] : memref<6400000xf32, #tpu.memory_space<hbm>> -> memref<4000xf32, #tpu.memory_space<hbm>>
      tpu.wait_dma2 semaphore(%arg28 : memref<!tpu.dma_semaphore, #tpu.memory_space<semaphore_mem>>) src(%dma_wait3A_156 : memref<4000xf32, #tpu.memory_space<hbm>>) dst(%arg18 : memref<4000xf32, #tpu.memory_space<vmem>>)
      "tpu.region"() ({
        %run_scoped3A = tpu.sem_alloc : memref<!tpu.dma_semaphore, #tpu.memory_space<semaphore_mem>>
        %dma_start3A_157 = arith.constant 0 : i32
        %dma_start3A_158 = tpu.memref_slice %arg7[%dma_start3A_157] : memref<100352xf32, #tpu.memory_space<vmem_shared>> -> memref<100352xf32, #tpu.memory_space<vmem_shared>>
        tpu.enqueue_indirect_dma source(%arg25 : memref<4000xf32, #tpu.memory_space<vmem>>) target(%dma_start3A_158 : memref<100352xf32, #tpu.memory_space<vmem_shared>>) offsets(%arg17 : memref<4000xi32, #tpu.memory_space<vmem>>) semaphore(%run_scoped3A : memref<!tpu.dma_semaphore, #tpu.memory_space<semaphore_mem>>) {add = true}
        %dma_wait3A_159 = arith.constant 0 : i32
        %dma_wait3A_160 = tpu.memref_slice %arg7[%dma_wait3A_159] : memref<100352xf32, #tpu.memory_space<vmem_shared>> -> memref<100352xf32, #tpu.memory_space<vmem_shared>>
        tpu.wait_indirect_dma semaphore(%run_scoped3A : memref<!tpu.dma_semaphore, #tpu.memory_space<semaphore_mem>>) src(%arg25 : memref<4000xf32, #tpu.memory_space<vmem>>) dst(%dma_wait3A_160 : memref<100352xf32, #tpu.memory_space<vmem_shared>>)
        tpu.yield
      }) : () -> ()
      "tpu.region"() ({
        %run_scoped3A = tpu.sem_alloc : memref<!tpu.dma_semaphore, #tpu.memory_space<semaphore_mem>>
        %dma_start3A_157 = arith.constant 0 : i32
        %dma_start3A_158 = tpu.memref_slice %arg8[%dma_start3A_157] : memref<100352xf32, #tpu.memory_space<vmem_shared>> -> memref<100352xf32, #tpu.memory_space<vmem_shared>>
        tpu.enqueue_indirect_dma source(%arg27 : memref<4000xf32, #tpu.memory_space<vmem>>) target(%dma_start3A_158 : memref<100352xf32, #tpu.memory_space<vmem_shared>>) offsets(%arg17 : memref<4000xi32, #tpu.memory_space<vmem>>) semaphore(%run_scoped3A : memref<!tpu.dma_semaphore, #tpu.memory_space<semaphore_mem>>) {add = true}
        %dma_wait3A_159 = arith.constant 0 : i32
        %dma_wait3A_160 = tpu.memref_slice %arg8[%dma_wait3A_159] : memref<100352xf32, #tpu.memory_space<vmem_shared>> -> memref<100352xf32, #tpu.memory_space<vmem_shared>>
        tpu.wait_indirect_dma semaphore(%run_scoped3A : memref<!tpu.dma_semaphore, #tpu.memory_space<semaphore_mem>>) src(%arg27 : memref<4000xf32, #tpu.memory_space<vmem>>) dst(%dma_wait3A_160 : memref<100352xf32, #tpu.memory_space<vmem_shared>>)
        tpu.yield
      }) : () -> ()
    }
    %scan3A_49 = arith.constant 25 : i32
    %barrier3A_50 = arith.constant 0 : index
    tpu.barrier barrier_id(%barrier3A_50)
    %mul3A_51 = arith.constant 200704 : i32
    %mul3A_52 = arith.muli %mul3A_51, %arg0 : i32
    %mul3A_53 = arith.constant 6272 : i32
    %mul3A_54 = arith.muli %arg1, %mul3A_53 : i32
    %add3A_55 = arith.addi %mul3A_52, %mul3A_54 : i32
    "tpu.region"() ({
      %run_scoped3A = tpu.sem_alloc : memref<!tpu.dma_semaphore, #tpu.memory_space<semaphore_mem>>
      %dma_start3A_63 = tpu.memref_slice %arg5[%add3A_55] : memref<401408xf32, #tpu.memory_space<hbm>> -> memref<6272xf32, #tpu.memory_space<hbm>>
      %dma_start3A_64 = tpu.memref_slice %arg7[%mul3A_2] : memref<100352xf32, #tpu.memory_space<vmem_shared>> -> memref<6272xf32, #tpu.memory_space<vmem_shared>>
      tpu.enqueue_dma source(%dma_start3A_64 : memref<6272xf32, #tpu.memory_space<vmem_shared>>) target(%dma_start3A_63 : memref<6272xf32, #tpu.memory_space<hbm>>) target_semaphore(%run_scoped3A : memref<!tpu.dma_semaphore, #tpu.memory_space<semaphore_mem>>)
      %dma_wait3A_65 = tpu.memref_slice %arg5[%add3A_55] : memref<401408xf32, #tpu.memory_space<hbm>> -> memref<6272xf32, #tpu.memory_space<hbm>>
      %dma_wait3A_66 = tpu.memref_slice %arg7[%mul3A_2] : memref<100352xf32, #tpu.memory_space<vmem_shared>> -> memref<6272xf32, #tpu.memory_space<vmem_shared>>
      tpu.wait_dma2 semaphore(%run_scoped3A : memref<!tpu.dma_semaphore, #tpu.memory_space<semaphore_mem>>) src(%dma_wait3A_66 : memref<6272xf32, #tpu.memory_space<vmem_shared>>) dst(%dma_wait3A_65 : memref<6272xf32, #tpu.memory_space<hbm>>)
      tpu.yield
    }) : () -> ()
    %mul3A_56 = arith.constant 200704 : i32
    %mul3A_57 = arith.muli %mul3A_56, %arg0 : i32
    %add3A_58 = arith.constant 100352 : i32
    %add3A_59 = arith.addi %mul3A_57, %add3A_58 : i32
    %mul3A_60 = arith.constant 6272 : i32
    %mul3A_61 = arith.muli %arg1, %mul3A_60 : i32
    %add3A_62 = arith.addi %add3A_59, %mul3A_61 : i32
    "tpu.region"() ({
      %run_scoped3A = tpu.sem_alloc : memref<!tpu.dma_semaphore, #tpu.memory_space<semaphore_mem>>
      %dma_start3A_63 = tpu.memref_slice %arg5[%add3A_62] : memref<401408xf32, #tpu.memory_space<hbm>> -> memref<6272xf32, #tpu.memory_space<hbm>>
      %dma_start3A_64 = tpu.memref_slice %arg8[%mul3A_2] : memref<100352xf32, #tpu.memory_space<vmem_shared>> -> memref<6272xf32, #tpu.memory_space<vmem_shared>>
      tpu.enqueue_dma source(%dma_start3A_64 : memref<6272xf32, #tpu.memory_space<vmem_shared>>) target(%dma_start3A_63 : memref<6272xf32, #tpu.memory_space<hbm>>) target_semaphore(%run_scoped3A : memref<!tpu.dma_semaphore, #tpu.memory_space<semaphore_mem>>)
      %dma_wait3A_65 = tpu.memref_slice %arg5[%add3A_62] : memref<401408xf32, #tpu.memory_space<hbm>> -> memref<6272xf32, #tpu.memory_space<hbm>>
      %dma_wait3A_66 = tpu.memref_slice %arg8[%mul3A_2] : memref<100352xf32, #tpu.memory_space<vmem_shared>> -> memref<6272xf32, #tpu.memory_space<vmem_shared>>
      tpu.wait_dma2 semaphore(%run_scoped3A : memref<!tpu.dma_semaphore, #tpu.memory_space<semaphore_mem>>) src(%dma_wait3A_66 : memref<6272xf32, #tpu.memory_space<vmem_shared>>) dst(%dma_wait3A_65 : memref<6272xf32, #tpu.memory_space<hbm>>)
      tpu.yield
    }) : () -> ()
    return
  }
}

</mosaic_0001>

<sc_bundles>
// kernel: body.5.cloned.1.call-start
scs
__scs_entry_jumppad:
0x0: {  	(pc) =	sbr.rel $0x88, $3  }
0x1: {  	(tag) =	ssettag $0x0;
	lr =	simm.s32 $0x1  }
0x2: {  	[smem:$0x3F9D] =	sst lr;
	_ =	strace $0xD0000000  }
0x3: {  	_ = 	snop  }
0x4: {  	_ = 	snop  }
0x5: {  	_ = 	snop  }
0x6: {  	_ = 	snop  }
0x7: {  	_ = 	snop  }
__scs_overlays_trampoline_lowered:
0x8: {  	[smem:$0x3FAC] =	sst s0  }
0x9: {  	[smem:$0x3FAD] =	sst s1  }
0xa: {  	[smem:$0x3FAE] =	sst s2  }
0xb: {  	[smem:$0x3FAF] =	sst s3  }
0xc: {  	[smem:$0x3FB0] =	sst s4  }
0xd: {  	[smem:$0x3FB1] =	sst s5  }
0xe: {  	[smem:$0x3FB2] =	sst s6  }
0xf: {  	[smem:$0x3FB3] =	sst s7  }
0x10: {  	[smem:$0x3FB4] =	sst s8  }
0x11: {  	[smem:$0x3FB5] =	sst s9;
	s0 =	simm.s32 @!p0 $0x0  }
0x12: {  	s1 =	sld [smem:$0x3F9B];
	s0 =	simm.s32 @p0 $0x1  }
0x13: {  	[smem:$0x3FB6] =	sst s0;
	s0 =	simm.s32 @!p1 $0x0  }
0x14: {  	s2 =	sld [smem:$0x3F9A];
	s0 =	simm.s32 @p1 $0x1  }
0x15: {  	[smem:$0x3FB7] =	sst s0;
	s0 =	simm.s32 @!p2 $0x0  }
0x16: {  	s3 =	sld [smem:$0x3FDB];
	s0 =	simm.s32 @p2 $0x1  }
0x17: {  	s4 =	simm.s32 $0x1BF5;
	[smem:$0x3FB9] =	sst s0  }
0x18: {  	s0 =	sld [smem:$0x3F9C];
	_ =	swait.ge [sflag:s4], $0x0  }
0x19: {  	s7 =	sld [smem:$0x3F9D]  }
0x1a: {  	s8 =	sadd.s32 $0xFFFFE003, lr  }
0x1b: {  	s9 =	sadd.s32 $0xFFFFFEF7, lr;
	s5 =	simm.s32 $0xFFFFFFFF;
	p2 =	slt.u32 s8, $0xFFFFF086  }
0x1c: {  	p1 =	slt.u32 s9, $0xF7A;
	s5 =	simm.s32 @!p2 $0x0  }
0x1d: {  	s5 =	simm.s32 @p1 $0x1;
	p0 =	seq.s32 s7, s2  }
0x1e: {  	s7 =	smul.u32 @!p0 $0xF7A, s2;
	p2 =	seq.s32 @!p0 s5, $0x0  }
0x1f: {  	s9 =	smul.u32 $0xF7A, s1;
	s8 =	simm.s32 @!p0 $0x1BF5;
	p2 =	por !p2, p0  }
0x20: {  	[sflag:s8] =	ssyncset.s32 @!p0 $0xFFFFF086;
	s6 =	sadd.s32 @!p0 s3, s7;
	s7 =	simm.s32 @!p0 $0x108  }
0x21: {  	s3 =	sadd.s32 s3, s9;
	s6 =	sadd.s32 @!p0 $0x88, s6;
	s7 =	simm.s32 @p2 $0x1082  }
0x22: {  	[simem:s7], [sflag:s8] =	dma.local @!p0 [hbm:s6], $0xF7A  }
0x23: {  	s9 =	sor.u32 $0xD0000000, s2;
	s6 =	simm.s32 $0x108;
	_ =	swait.ge @!p0 [sflag:s8], $0x0  }
0x24: {  	s3 =	sadd.s32 $0x88, s3;
	s6 =	simm.s32 @!p1 $0x1082;
	[sflag:s4] =	ssyncset.s32 $0xFFFFF086  }
0x25: {  	[simem:s6], [sflag:s4] =	dma.local [hbm:s3], $0xF7A  }
0x26: {  	[smem:$0x3F9D] =	sst s1;
	(tag) =	ssettag s2;
	_ =	strace s9  }
0x27: {  	s1 =	sld [smem:$0x3FAD]  }
0x28: {  	s2 =	sld [smem:$0x3FAE]  }
0x29: {  	s4 =	sld [smem:$0x3FB0]  }
0x2a: {  	p0 =	seq.s32 s5, $0x0;
	s5 =	sld [smem:$0x3FB1]  }
0x2b: {  	s6 =	sld [smem:$0x3FB2]  }
0x2c: {  	s7 =	sld [smem:$0x3FB3]  }
0x2d: {  	s3 =	simm.s32 $0x108;
	s8 =	sld [smem:$0x3FB4]  }
0x2e: {  	s3 =	simm.s32 @!p0 $0x1082;
	s9 =	sld [smem:$0x3FB5]  }
0x2f: {  	lr =	sadd.s32 s0, s3;
	s0 =	sld [smem:$0x3FAC]  }
0x30: {  	s3 =	sld [smem:$0x3FAF]  }
0x31: {  	[smem:$0x3FB8] =	sst s10  }
0x32: {  	s10 =	sld [smem:$0x3FB6];
	_ =	sdelay $0x3  }
0x33: {  	p0 =	seq.s32 s10, $0x1;
	s10 =	sld [smem:$0x3FB8];
	_ =	sdelay $0x3  }
0x34: {  	[smem:$0x3FB8] =	sst s10  }
0x35: {  	s10 =	sld [smem:$0x3FB7];
	_ =	sdelay $0x3  }
0x36: {  	p1 =	seq.s32 s10, $0x1;
	s10 =	sld [smem:$0x3FB8];
	_ =	sdelay $0x3  }
0x37: {  	[smem:$0x3FB8] =	sst s10  }
0x38: {  	s10 =	sld [smem:$0x3FB9]  }
0x39: {  	_ = 	snop;
	(pc) =	sbr.ind lr, $3  }
0x3a: {  	_ = 	snop  }
0x3b: {  	_ = 	snop  }
0x3c: {  	p2 =	seq.s32 s10, $0x1;
	s10 =	sld [smem:$0x3FB8]  }
0x3d: {  	_ =	shalt  }
0x3e: {  	_ =	shalt  }
0x3f: {  	_ =	shalt  }
0x40: {  	_ =	shalt  }
0x41: {  	_ =	shalt  }
0x42: {  	_ =	shalt  }
0x43: {  	_ =	shalt  }
0x44: {  	_ =	shalt  }
0x45: {  	_ =	shalt  }
0x46: {  	_ =	shalt  }
0x47: {  	_ =	shalt  }
0x48: {  	_ =	shalt  }
0x49: {  	_ =	shalt  }
0x4a: {  	_ =	shalt  }
0x4b: {  	_ =	shalt  }
0x4c: {  	_ =	shalt  }
0x4d: {  	_ =	shalt  }
0x4e: {  	_ =	shalt  }
0x4f: {  	_ =	shalt  }
0x50: {  	_ =	shalt  }
0x51: {  	_ =	shalt  }
0x52: {  	_ =	shalt  }
0x53: {  	_ =	shalt  }
0x54: {  	_ =	shalt  }
0x55: {  	_ =	shalt  }
0x56: {  	_ =	shalt  }
0x57: {  	_ =	shalt  }
0x58: {  	_ =	shalt  }
0x59: {  	_ =	shalt  }
0x5a: {  	_ =	shalt  }
0x5b: {  	_ =	shalt  }
0x5c: {  	_ =	shalt  }
0x5d: {  	_ =	shalt  }
0x5e: {  	_ =	shalt  }
0x5f: {  	_ =	shalt  }
0x60: {  	_ =	shalt  }
0x61: {  	_ =	shalt  }
0x62: {  	_ =	shalt  }
0x63: {  	_ =	shalt  }
0x64: {  	_ =	shalt  }
0x65: {  	_ =	shalt  }
0x66: {  	_ =	shalt  }
0x67: {  	_ =	shalt  }
0x68: {  	_ =	shalt  }
0x69: {  	_ =	shalt  }
0x6a: {  	_ =	shalt  }
0x6b: {  	_ =	shalt  }
0x6c: {  	_ =	shalt  }
0x6d: {  	_ =	shalt  }
0x6e: {  	_ =	shalt  }
0x6f: {  	_ =	shalt  }
0x70: {  	_ =	shalt  }
0x71: {  	_ =	shalt  }
0x72: {  	_ =	shalt  }
0x73: {  	_ =	shalt  }
0x74: {  	_ =	shalt  }
0x75: {  	_ =	shalt  }
0x76: {  	_ =	shalt  }
0x77: {  	_ =	shalt  }
0x78: {  	_ =	shalt  }
0x79: {  	_ =	shalt  }
0x7a: {  	_ =	shalt  }
0x7b: {  	_ =	shalt  }
0x7c: {  	_ =	shalt  }
0x7d: {  	_ =	shalt  }
0x7e: {  	_ =	shalt  }
0x7f: {  	_ =	shalt  }
0x80: {  	_ =	shalt  }
0x81: {  	_ =	shalt  }
0x82: {  	_ =	shalt  }
0x83: {  	_ =	shalt  }
0x84: {  	_ =	shalt  }
0x85: {  	_ =	shalt  }
0x86: {  	_ =	shalt  }
0x87: {  	_ =	shalt  }
.Lfunc_end0:
.L_simem_size_0:
called_computation.1_lowered:
.L_overlay_start_0:
0x88: {  	s2 =	sld [smem:$0x3FD9]  }
0x89: {  	s3 =	sld [smem:$0x3FFE];
	_ =	sdelay $0x1  }
0x8a: {  	s1 =	srdreg.scid  }
0x8b: {  	s0 =	sand.u32 $0x1, s1  }
0x8c: {  	s17 =	sshll.u32 s0, $0xA;
	s2 =	sadd.s32 s3, s2  }
0x8d: {  	s2 =	sadd.s32 s2, s17  }
0x8e: {  	[smem:$0x3FC4] =	sst s2  }
0x8f: {  	_ = 	snop  }
0x90: {  	s2 =	sld [smem:$0x3FC8];
	(tm) =	ssettm $0x1  }
0x91: {  	s18 =	sld [smem:$0x3FFB];
	_ =	sdelay $0x3  }
0x92: {  	_ =	strace s18  }
0x93: {  	s3 =	sld [smem:$0x3FFC];
	_ =	sdelay $0x3  }
0x94: {  	_ =	strace s3  }
0x95: {  	s3 =	sld [smem:$0x3FFD];
	_ =	sdelay $0x3  }
0x96: {  	_ =	strace s3  }
0x97: {  	_ =	strace $0x8FFFFFFF  }
0x98: {  	s19 =	sld [smem:$0x3FDB];
	_ =	sdelay $0x1  }
0x99: {  	s4 =	simm.s32 $_scs_section_size  }
0x9a: {  	s5 =	simm.s32 $_size__tile_overlayer_lowered;
	s6 =	simm.s32 $_tile_overlayer_lowered  }
0x9b: {  	s22 =	simm.s32 $0x1BFF;
	s21 =	sshll.u32 s6, $0x1;
	s3 =	sadd.s32 s4, s19  }
0x9c: {  	s7 =	simm.s32 $0x0;
	s20 =	sshll.u32 s5, $0x1;
	s5 =	sadd.s32 s21, s3  }
0x9d: {  	[timem:s7], [sflag:s22] =	dma.local [hbm:s5], s20  }
0x9e: {  	_ =	swait.ge [sflag:s22], s20  }
0x9f: {  	s4 =	ssub.s32 $0x0, s20;
	[sflag:s22] =	ssyncset.done $0x0  }
0xa0: {  	[sflag:s22] =	ssyncadd.s32 s4;
	_ =	sdelay $0x1  }
0xa1: {  	s23 =	simm.s32 $0x1B8B  }
0xa2: {  	_ =	swait.ge [sflag:s23], $0x1  }
0xa3: {  	[sflag:s23] =	ssyncset.done $0x0  }
0xa4: {  	s25 =	simm.s32 $0x1B8E;
	s24 =	sld [smem:$0x3FFE];
	[sflag:s23] =	ssyncadd.s32 $0xFFFFFFFF  }
0xa5: {  	s26 =	simm.s32 $execute0_lowered;
	[smem:$0x3FD2] =	sst s25  }
0xa6: {  	s5 =	sshll.u32 s26, $0x1;
	_ =	strace $0x8000004C;
	[dreg:$0x1] =	wrdreg $0xFFFFFFFF  }
0xa7: {  	s28 =	simm.s32 $_size_execute0_lowered;
	s3 =	sadd.s32 s3, s5;
	[dreg:$0x0] =	wrdreg $0x0  }
0xa8: {  	s5 =	sshll.u32 s28, $0x1;
	[dreg:$0x2] =	wrdreg s3  }
0xa9: {  	[dreg:$0x3] =	wrdreg s5  }
0xaa: {  	[dreg:$0x4] =	wrdreg $0xC0  }
0xab: {  	_ =	task [dreg:s7], $0x5FFFF  }
0xac: {  	[dreg:$0x1] =	wrdreg $0xFFFFFFFF  }
0xad: {  	[dreg:$0x0] =	wrdreg $0x60  }
0xae: {  	[dreg:$0x2] =	wrdreg s24  }
0xaf: {  	[dreg:$0x3] =	wrdreg s2  }
0xb0: {  	[dreg:$0x4] =	wrdreg $0x0  }
0xb1: {  	[dreg:$0x5] =	wrdreg $0x18800  }
0xb2: {  	[dreg:$0x6] =	wrdreg $0x31000  }
0xb3: {  	[dreg:$0x7] =	wrdreg $0x9  }
0xb4: {  	_ =	task.clear_ibuf [dreg:s7], $0x8FFFF;
	_ =	strace $0x9000004C  }
0xb5: {  	s29 =	simm.s32 $0x9;
	_ =	strace $0x8000004E  }
0xb6: {  	_ =	swait.ge [sflag:s29], $0x1  }
0xb7: {  	[sflag:s29] =	ssyncadd.s32 $0xFFFFFFFF  }
0xb8: {  	_ =	strace $0x9000004E  }
0xb9: {  	_ =	sfence  }
0xba: {  	s30 =	sld [smem:$0x0];
	_ =	sdelay $0x2  }
0xbb: {  	s31 =	sshll.u32 s1, $0xD;
	s1 =	sshrl.u32 s1, $0x2  }
0xbc: {  	s3 =	sand.u32 $0x4000, s31;
	s1 =	sadd.s32 s1, s30  }
0xbd: {  	s0 =	sor.u32 s3, s0;
	s1 =	sshll.u32 s1, $0x11  }
0xbe: {  	s0 =	sor.u32 s1, s0  }
0xbf: {  	s0 =	sadd.s32 $0x8F2B, s0  }
0xc0: {  	[sflag:s0] =	ssyncadd.remote.s32 $0x1  }
0xc1: {  	_ =	sfence.sel $0xFFFF  }
0xc2: {  	[dreg:$0x0] =	wrdreg $0xFFFFFFFF;
	(pc) =	sbr.abs _section_cstart, $3  }
0xc3: {  	[dreg:$0x1] =	wrdreg $0xFFFFFFFF  }
0xc4: {  	_ =	task.clear_ibuf [dreg:s7], $0x2FFFF;
	_ =	strace $0x9FFFFFFF  }
0xc5: {  	(tm) =	ssettm $0x7FFFFFFF  }
tec
execute0_lowered:
.L_overlay_start_1:
0x0: {  	(tag) =	ssettag $0x1  }
0x1: {  	s0 =	rddreg [dreg:$0x0]  }
0x2: {  	s1 =	rddreg [dreg:$0x1]  }
0x3: {  	s2 =	rddreg [dreg:$0x2]  }
0x4: {  	s4 =	rddreg [dreg:$0x3];
	s11 =	stileid.u32  }
0x5: {  	s3 =	srdreg.scid;
	s5 =	rddreg [dreg:$0x4];
	s8 =	simm.s32 $0x0  }
0x6: {  	s30 =	simm.s32 $0xC400;
	s31 =	simm.s32 $0xE400;
	s12 =	simm.s32 $0x2  }
0x7: {  	s6 =	smul.u32 $0x1880, s11;
	s3 =	sand.u32 $0x1, s3;
	[smem:$0x7FF] =	sst s8  }
0x8: {  	s29 =	simm.s32 $0x15400;
	s7 =	smul.u32 $0x31000, s3;
	_ =	strace $0x8000004D  }
0x9: {  	s10 =	sshll.u32 s3, $0x4;
	s3 =	ssub.s32 $0x2, s3;
	s13 =	sshrl.u32 s6, $0x3  }
0xa: {  	s14 =	sor.u32 s11, s10;
	s16 =	sshrl.u32 s3, $0x1;
	s21 =	sadd.s32 s6, s2  }
0xb: {  	s15 =	sadd.s32 s6, s4;
	s28 =	sadd.s32 s6, s5;
	s10 =	simm.s32 $0xF400  }
0xc: {  	s11 =	simm.s32 $0x11400;
	s8 =	sadd.s32 s13, s0;
	s9 =	sadd.s32 s6, s7  }
0xd: {  	s7 =	sadd.s32 $0xC00, s0;
	s18 =	smul.u32 $0xFA0, s14;
	[dreg:$0xa] =	wrdreg s21  }
0xe: {  	s3 =	ssub.s32 s3, s16;
	s16 =	simm.s32 $0x18400;
	[dreg:$0xb] =	wrdreg s15  }
0xf: {  	s21 =	simm.s32 $0x17400;
	[dreg:$0xc] =	wrdreg s28;
	s17 =	sadd.s32 $0x193A00, s8  }
0x10: {  	s13 =	simm.s32 $0x0;
	s19 =	sadd.s32 $0x196B00, s8;
	[dreg:$0x6] =	wrdreg s17  }
0x11: {  	s9 =	sshrl.u32 s9, $0x3;
	s20 =	sadd.s32 $0x199C00, s8;
	[dreg:$0x7] =	wrdreg s19  }
0x12: {  	s8 =	sadd.s32 $0x19CD00, s8;
	s26 =	smax.u32 s3, $0x1;
	[dreg:$0x8] =	wrdreg s20  }
0x13: {  	s3 =	simm.s32 $0x10400;
	s0 =	sadd.s32 s9, s0;
	[dreg:$0x9] =	wrdreg s8  }
0x14: {  	s22 =	sshrl.u32 s18, $0x3;
	s18 =	sor.u32 $0x20, s14;
	s19 =	sor.u32 $0x40, s14  }
0x15: {  	[dreg:$0x12] =	wrdreg s26;
	s26 =	simm.s32 $0xFA0;
	s8 =	simm.s32 $0x3  }
0x16: {  	s9 =	simm.s32 $0xD400;
	s17 =	simm.s32 $0x13400;
	s23 =	sadd.s32 s7, s22  }
0x17: {  	s20 =	simm.s32 $0x4;
	s24 =	sadd.s32 s1, s22;
	[dreg:$0xd] =	wrdreg s23  }
0x18: {  	s25 =	sadd.s32 $0x187600, s0;
	s0 =	sadd.s32 $0x18A700, s0;
	[dreg:$0xf] =	wrdreg s24  }
0x19: {  	s22 =	simm.s32 $0x19400;
	s6 =	sadd.s32 $0xC3500, s23;
	[dreg:$0x10] =	wrdreg s25  }
0x1a: {  	[dreg:$0x11] =	wrdreg s0;
	s24 =	simm.s32 $0x5;
	s23 =	simm.s32 $0x1  }
0x1b: {  	v0 =	vimm.f32 $0.0e+00;
	s0 =	simm.s32 $0x14400;
	s25 =	simm.s32 $0x16400;
	[dreg:$0xe] =	wrdreg s6  }
.LBB2_1:
0x1c: {  	[dreg:$0x13] =	wrdreg s13  }
0x1d: {  	s6 =	simm.s32 $0x0;
	s13 =	rddreg [dreg:$0x6];
	s14 =	simm.s32 $0x7A80  }
0x1e: {  	[tilespmem:s14], [sflag:$0x5] =	stream.linear.gather [hbm4b:s13+s6], $0x1880, $0x38;
	[tilespmem:$0x1A400] =	vst v63  }
0x1f: {  	_ =	swait.ge [sflag:s24], $0x1880  }
0x20: {  	[sflag:s24] =	ssyncset.done $0x0  }
0x21: {  	s14 =	simm.s32 $0x4980;
	s13 =	rddreg [dreg:$0x7];
	[sflag:s24] =	ssyncadd.s32 $0xFFFFE780  }
0x22: {  	[tilespmem:s14], [sflag:$0x5] =	stream.linear.gather [hbm4b:s13+s6], $0x1880, $0x38;
	[tilespmem:$0x1A400] =	vst v63  }
0x23: {  	_ =	swait.ge [sflag:s24], $0x1880  }
0x24: {  	[sflag:s24] =	ssyncset.done $0x0  }
0x25: {  	s14 =	simm.s32 $0x9300;
	s13 =	rddreg [dreg:$0x8];
	[sflag:s24] =	ssyncadd.s32 $0xFFFFE780  }
0x26: {  	[tilespmem:s14], [sflag:$0x5] =	stream.linear.gather [hbm4b:s13+s6], $0x1880, $0x38;
	[tilespmem:$0x1A400] =	vst v63  }
0x27: {  	_ =	swait.ge [sflag:s24], $0x1880  }
0x28: {  	[sflag:s24] =	ssyncset.done $0x0  }
0x29: {  	s14 =	simm.s32 $0x6200;
	s13 =	rddreg [dreg:$0x9];
	[sflag:s24] =	ssyncadd.s32 $0xFFFFE780  }
0x2a: {  	[tilespmem:s14], [sflag:$0x5] =	stream.linear.gather [hbm4b:s13+s6], $0x1880, $0x38;
	[tilespmem:$0x1A400] =	vst v63  }
0x2b: {  	_ =	swait.ge [sflag:s24], $0x1880  }
0x2c: {  	[sflag:s24] =	ssyncset.done $0x0  }
0x2d: {  	s6 =	simm.s32 $0x0;
	[sflag:s24] =	ssyncadd.s32 $0xFFFFE780  }
0x2e: {  	v1 =	vld [tilespmem:s6+$0x7A80]  }
0x2f: {  	v2 =	vld [tilespmem:s6+$0x9300];
	_ =	sdelay $0x4  }
0x30: {  	v2 =	vadd.f32 v2, v1;
	_ =	sdelay $0x1  }
0x31: {  	v4 =	vadd.f32 $1.000000000e+00, v2;
	_ =	sdelay $0x1  }
0x32: {  	v3 =	vld [tilespmem:s6+$0x4980];
	(erf) = vrcp.f32 v4  }
0x33: {  	s13 =	simm.s32 $0x10;
	[tilespmem:s6+$0xAB80] =	vst v0;
	v1 =	vld [tilespmem:s6+$0x6200]  }
0x34: {  	s14 =	simm.s32 $0x80;
	[tilespmem:s13+$0xAB80] =	vst v0;
	v2 =	vld [tilespmem:s13+$0x7A80]  }
.LBB2_2:
0x35: {  	p0 =	sne.s32 s14, $0x61C0;
	v4 =	vld [tilespmem:s13+$0x9300];
	_ =	sdelay $0x2  }
0x36: {  	v1 =	vadd.f32 v1, v3;
	_ =	sdelay $0x1  }
0x37: {  	v2 =	vadd.f32 v4, v2;
	v1 =	vadd.f32 $5.000000070e-02, v1  }
0x38: {  	v3 =	vpop (erf)  }
.Ltmp0:
0x39: {  	v2 =	vadd.f32 $1.000000000e+00, v2;
	v3 =	vmul.f32 v3, v1;
	(pc) =	sbr.rel @p0 .LBB2_2-.Ltmp0, $4  }
0x3a: {  	_ = 	snop  }
0x3b: {  	v1 =	vld [tilespmem:s13+$0x6200];
	(erf) = vrcp.f32 v2;
	[tilespmem:s6+$0x4980] =	vst v3;
	s6 =	smov.u32 s13  }
0x3c: {  	s13 =	sshra.s32 s14, $0x2;
	v3 =	vld [tilespmem:s6+$0x4980]  }
0x3d: {  	s14 =	sadd.s32 $0x40, s14;
	v2 =	vld [tilespmem:s13+$0x7A80];
	[tilespmem:s13+$0xAB80] =	vst v0  }
0x3e: {  	v4 =	vld [tilespmem:s13+$0x9300];
	_ =	sdelay $0x2  }
0x3f: {  	v1 =	vadd.f32 v1, v3;
	_ =	sdelay $0x1  }
0x40: {  	v2 =	vadd.f32 v4, v2;
	v1 =	vadd.f32 $5.000000070e-02, v1  }
0x41: {  	v3 =	vpop (erf)  }
0x42: {  	v2 =	vadd.f32 $1.000000000e+00, v2;
	v1 =	vmul.f32 v3, v1;
	_ =	sdelay $0x1  }
0x43: {  	v3 =	vld [tilespmem:s13+$0x6200];
	(erf) = vrcp.f32 v2;
	[tilespmem:s6+$0x4980] =	vst v1  }
0x44: {  	v1 =	vld [tilespmem:s13+$0x4980];
	_ =	sdelay $0x4  }
0x45: {  	v1 =	vadd.f32 v3, v1;
	_ =	sdelay $0x1  }
0x46: {  	v1 =	vadd.f32 $5.000000070e-02, v1  }
0x47: {  	v2 =	vpop (erf)  }
0x48: {  	v1 =	vmul.f32 v2, v1;
	_ =	sdelay $0x1  }
0x49: {  	s14 =	simm.s32 $0x4980;
	[tilespmem:s13+$0x4980] =	vst v1;
	s13 =	rddreg [dreg:$0xa]  }
0x4a: {  	[spmem:s13] =	stream.linear.scatter [tilespmem:s14], [sflag:$0x5], $0x1880, $0x38;
	[tilespmem:$0x1A400] =	vst v63  }
0x4b: {  	_ =	swait.ge [sflag:s24], $0x1880  }
0x4c: {  	[sflag:s24] =	ssyncset.done $0x0  }
0x4d: {  	s13 =	simm.s32 $0xAB80;
	[sflag:s24] =	ssyncadd.s32 $0xFFFFE780  }
0x4e: {  	[spmem:s15] =	stream.linear.scatter [tilespmem:s13], [sflag:$0x5], $0x1880, $0x38;
	[tilespmem:$0x1A400] =	vst v63  }
0x4f: {  	_ =	swait.ge [sflag:s24], $0x1880  }
0x50: {  	[sflag:s24] =	ssyncset.done $0x0  }
0x51: {  	[sflag:s24] =	ssyncadd.s32 $0xFFFFE780  }
0x52: {  	[spmem:s28] =	stream.linear.scatter [tilespmem:s13], [sflag:$0x5], $0x1880, $0x38;
	[tilespmem:$0x1A400] =	vst v63  }
0x53: {  	_ =	swait.ge [sflag:s24], $0x1880  }
0x54: {  	[sflag:s24] =	ssyncset.done $0x0  }
0x55: {  	[sflag:s24] =	ssyncadd.s32 $0xFFFFE780  }
0x56: {  	[bflag:$0x0] =	sbarrier.arrive $0xFFFF  }
0x57: {  	s6 =	simm.s32 $0x0;
	s14 =	rddreg [dreg:$0xd]  }
0x58: {  	[tilespmem:s30], [sflag:$0x1] =	stream.linear.gather [hbm4b:s14+s6], $0xFA0, $0x38;
	[tilespmem:$0x1A400] =	vst v63  }
0x59: {  	s15 =	rddreg [dreg:$0xe]  }
0x5a: {  	[tilespmem:s31], [sflag:$0x1] =	stream.linear.gather [hbm4b:s15+s6], $0xFA0, $0x38;
	[tilespmem:$0x1A400] =	vst v63  }
0x5b: {  	s28 =	rddreg [dreg:$0xf]  }
0x5c: {  	[tilespmem:s3], [sflag:$0x1] =	stream.linear.gather [hbm4b:s28+s6], $0xFA0, $0x38;
	[tilespmem:$0x1A400] =	vst v63  }
0x5d: {  	_ =	swait.ge [sflag:s23], $0xFA0  }
0x5e: {  	[sflag:s23] =	ssyncset.done $0x0  }
0x5f: {  	[sflag:s23] =	ssyncadd.s32 $0xFFFFF060  }
0x60: {  	_ =	swait.ge [sflag:s23], $0xFA0  }
0x61: {  	[sflag:s23] =	ssyncset.done $0x0  }
0x62: {  	[sflag:s23] =	ssyncadd.s32 $0xFFFFF060  }
0x63: {  	_ =	swait.ge [sflag:s23], $0xFA0  }
0x64: {  	[sflag:s23] =	ssyncset.done $0x0  }
0x65: {  	s13 =	simm.s32 $0x0;
	[sflag:s23] =	ssyncadd.s32 $0xFFFFF060  }
.LBB2_4:
0x66: {  	s14 =	simm.s32 $0x12400  }
0x67: {  	[tilespmem:s14], [sflag:$0x3] =	stream.indirect.gather [spmem:s2], $0x1, s30, s26, $0xb8;
	[tilespmem:$0x1A400] =	vst v63  }
0x68: {  	_ = 	snop  }
0x69: {  	[tilespmem:s0], [sflag:$0x3] =	stream.indirect.gather [spmem:s2], $0x1, s31, s26, $0xb8;
	[tilespmem:$0x1A400] =	vst v63  }
0x6a: {  	s15 =	sshll.u32 s13, $0x6;
	_ =	swait.ge [sflag:s8], $0xFA0  }
0x6b: {  	s14 =	sor.u32 s18, s15;
	[sflag:s8] =	ssyncset.done $0x0  }
0x6c: {  	s14 =	smul.u32 $0xFA0, s14;
	[sflag:s8] =	ssyncadd.s32 $0xFFFFF060  }
0x6d: {  	_ =	swait.ge [sflag:s8], $0xFA0  }
0x6e: {  	s14 =	sshrl.u32 s14, $0x3;
	[sflag:s8] =	ssyncset.done $0x0  }
0x6f: {  	s15 =	sadd.s32 s7, s14;
	[sflag:s8] =	ssyncadd.s32 $0xFFFFF060  }
0x70: {  	[tilespmem:s9], [sflag:$0x2] =	stream.linear.gather [hbm4b:s15+s6], $0xFA0, $0x38;
	[tilespmem:$0x1A400] =	vst v63  }
0x71: {  	s15 =	sadd.s32 $0xC3500, s15  }
0x72: {  	[tilespmem:s10], [sflag:$0x2] =	stream.linear.gather [hbm4b:s15+s6], $0xFA0, $0x38;
	[tilespmem:$0x1A400] =	vst v63  }
0x73: {  	s14 =	sadd.s32 s1, s14;
	s15 =	simm.s32 $0x0  }
0x74: {  	[tilespmem:s11], [sflag:$0x2] =	stream.linear.gather [hbm4b:s14+s6], $0xFA0, $0x38;
	[tilespmem:$0x1A400] =	vst v63  }
0x75: {  	v1 =	vld [tilespmem:s15+$0x12440]  }
0x76: {  	v2 =	vld [tilespmem:s15+$0x14440]  }
0x77: {  	v4 =	vld [tilespmem:s15+$0x12400]  }
0x78: {  	v6 =	vld [tilespmem:s15+$0x14400]  }
0x79: {  	v5 =	vld [tilespmem:s15+$0x12410]  }
0x7a: {  	v7 =	vld [tilespmem:s15+$0x10440]  }
0x7b: {  	v8 =	vld [tilespmem:s15+$0x14410];
	v3 =	vsub.f32 v1, v2  }
0x7c: {  	v10 =	vld [tilespmem:s15+$0x14420]  }
0x7d: {  	v2 =	vld [tilespmem:s15+$0x12420];
	v9 =	vadd.f32 $9.999999970e-07, v3  }
0x7e: {  	v12 =	vld [tilespmem:s15+$0x14430]  }
0x7f: {  	v6 =	vsub.f32 v4, v6;
	v7 =	vmul.f32 v7, v7;
	v3 =	vld [tilespmem:s15+$0x12430];
	v11 =	vmul.f32 v9, v9  }
0x80: {  	v13 =	vsub.f32 v5, v8;
	v9 =	vld [tilespmem:s15+$0x10400]  }
0x81: {  	v8 =	vld [tilespmem:s15+$0x10410];
	v14 =	vadd.f32 $9.999999970e-07, v6;
	v11 =	vmul.f32 v11, v7  }
0x82: {  	v6 =	vld [tilespmem:s15+$0x10420];
	v13 =	vadd.f32 $9.999999970e-07, v13;
	v15 =	vsub.f32 v2, v10  }
0x83: {  	s14 =	simm.s32 $0x50;
	v10 =	vmul.f32 v14, v14;
	v7 =	vld [tilespmem:s15+$0x10430];
	[tilespmem:s15+$0x16440] =	vst v11;
	v14 =	vmul.f32 v11, v1  }
0x84: {  	s28 =	simm.s32 $0x280;
	v12 =	vsub.f32 v3, v12;
	v11 =	vmul.f32 v13, v13;
	v13 =	vadd.f32 $9.999999970e-07, v15;
	v1 =	vld [tilespmem:s14+$0x12440]  }
.LBB2_5:
0x85: {  	p0 =	sne.s32 s28, $0x3D40;
	v15 =	vld [tilespmem:s14+$0x14440];
	v9 =	vmul.f32 v9, v9;
	[tilespmem:s15+$0x18440] =	vst v14  }
0x86: {  	v14 =	vld [tilespmem:s14+$0x12400];
	v8 =	vmul.f32 v8, v8;
	v13 =	vmul.f32 v13, v13;
	v12 =	vadd.f32 $9.999999970e-07, v12  }
0x87: {  	v16 =	vld [tilespmem:s14+$0x14400];
	v9 =	vmul.f32 v10, v9;
	v6 =	vmul.f32 v6, v6  }
0x88: {  	v10 =	vld [tilespmem:s14+$0x12410];
	v7 =	vmul.f32 v7, v7;
	v12 =	vmul.f32 v12, v12  }
0x89: {  	v8 =	vmul.f32 v11, v8;
	v17 =	vld [tilespmem:s14+$0x10440];
	[tilespmem:s15+$0x16400] =	vst v9;
	v6 =	vmul.f32 v13, v6  }
0x8a: {  	v9 =	vmul.f32 v9, v4;
	v11 =	vld [tilespmem:s14+$0x14410];
	v13 =	vsub.f32 v1, v15;
	v7 =	vmul.f32 v12, v7  }
0x8b: {  	v18 =	vmul.f32 v8, v5;
	[tilespmem:s15+$0x16410] =	vst v8;
	v8 =	vmul.f32 v6, v2;
	v2 =	vld [tilespmem:s14+$0x12420];
	v4 =	vmov v14  }
0x8c: {  	v12 =	vsub.f32 v4, v16;
	v14 =	vld [tilespmem:s14+$0x14420];
	v13 =	vadd.f32 $9.999999970e-07, v13;
	[tilespmem:s15+$0x18400] =	vst v9;
	v15 =	vmul.f32 v7, v3  }
0x8d: {  	v3 =	vld [tilespmem:s14+$0x12430];
	[tilespmem:s15+$0x18410] =	vst v18;
	v5 =	vmov v10  }
0x8e: {  	v10 =	vadd.f32 $9.999999970e-07, v12;
	v12 =	vld [tilespmem:s14+$0x14430];
	v16 =	vmul.f32 v17, v17;
	v13 =	vmul.f32 v13, v13;
	[tilespmem:s15+$0x18420] =	vst v8  }
.Ltmp1:
0x8f: {  	v9 =	vld [tilespmem:s14+$0x10400];
	v11 =	vsub.f32 v5, v11;
	[tilespmem:s15+$0x18430] =	vst v15;
	(pc) =	sbr.rel @p0 .LBB2_5-.Ltmp1, $4  }
0x90: {  	v10 =	vmul.f32 v10, v10;
	v8 =	vld [tilespmem:s14+$0x10410];
	v13 =	vmul.f32 v13, v16;
	[tilespmem:s15+$0x16420] =	vst v6  }
0x91: {  	v11 =	vadd.f32 $9.999999970e-07, v11;
	v6 =	vld [tilespmem:s14+$0x10420];
	v15 =	vsub.f32 v2, v14;
	[tilespmem:s15+$0x16430] =	vst v7;
	s15 =	smov.u32 s14  }
0x92: {  	s14 =	sshra.s32 s28, $0x2;
	v7 =	vld [tilespmem:s15+$0x10430];
	[tilespmem:s15+$0x16440] =	vst v13;
	v14 =	vmul.f32 v13, v1  }
0x93: {  	s28 =	sadd.s32 $0x140, s28;
	v1 =	vld [tilespmem:s14+$0x12440];
	v11 =	vmul.f32 v11, v11;
	v13 =	vadd.f32 $9.999999970e-07, v15;
	v12 =	vsub.f32 v3, v12  }
0x94: {  	v15 =	vld [tilespmem:s14+$0x14440];
	[tilespmem:s15+$0x18440] =	vst v14;
	v9 =	vmul.f32 v9, v9  }
0x95: {  	v14 =	vld [tilespmem:s14+$0x12400]  }
0x96: {  	v16 =	vld [tilespmem:s14+$0x14400];
	v8 =	vmul.f32 v8, v8;
	v9 =	vmul.f32 v10, v9  }
0x97: {  	v17 =	vld [tilespmem:s14+$0x10440];
	v13 =	vmul.f32 v13, v13;
	v6 =	vmul.f32 v6, v6  }
0x98: {  	v10 =	vld [tilespmem:s14+$0x12410];
	v8 =	vmul.f32 v11, v8;
	[tilespmem:s15+$0x16400] =	vst v9;
	v4 =	vmul.f32 v9, v4;
	v9 =	vadd.f32 $9.999999970e-07, v12  }
0x99: {  	v7 =	vmul.f32 v7, v7;
	v6 =	vmul.f32 v13, v6;
	v11 =	vld [tilespmem:s14+$0x14410]  }
0x9a: {  	v18 =	vld [tilespmem:s14+$0x12420];
	[tilespmem:s15+$0x16410] =	vst v8;
	v5 =	vmul.f32 v8, v5;
	v9 =	vmul.f32 v9, v9  }
0x9b: {  	v12 =	vld [tilespmem:s14+$0x14420];
	[tilespmem:s15+$0x18400] =	vst v4;
	v2 =	vmul.f32 v6, v2  }
0x9c: {  	v8 =	vsub.f32 v1, v15;
	v4 =	vld [tilespmem:s14+$0x12430];
	[tilespmem:s15+$0x18410] =	vst v5;
	v7 =	vmul.f32 v9, v7  }
0x9d: {  	v5 =	vld [tilespmem:s14+$0x14430];
	[tilespmem:s15+$0x18420] =	vst v2  }
0x9e: {  	v8 =	vadd.f32 $9.999999970e-07, v8;
	v2 =	vld [tilespmem:s14+$0x10400];
	v3 =	vmul.f32 v7, v3  }
0x9f: {  	v9 =	vsub.f32 v14, v16  }
0xa0: {  	v13 =	vmul.f32 v17, v17;
	v8 =	vmul.f32 v8, v8;
	[tilespmem:s15+$0x18430] =	vst v3  }
0xa1: {  	v9 =	vadd.f32 $9.999999970e-07, v9;
	v11 =	vsub.f32 v10, v11;
	v3 =	vld [tilespmem:s14+$0x10410];
	[tilespmem:s15+$0x16420] =	vst v6  }
0xa2: {  	v8 =	vmul.f32 v8, v13;
	v6 =	vld [tilespmem:s14+$0x10420];
	[tilespmem:s15+$0x16430] =	vst v7;
	v7 =	vsub.f32 v18, v12  }
0xa3: {  	v9 =	vmul.f32 v9, v9;
	v11 =	vadd.f32 $9.999999970e-07, v11;
	v2 =	vmul.f32 v2, v2  }
0xa4: {  	v1 =	vmul.f32 v8, v1;
	v5 =	vsub.f32 v4, v5;
	v12 =	vld [tilespmem:s14+$0x10430];
	v7 =	vadd.f32 $9.999999970e-07, v7  }
0xa5: {  	v11 =	vmul.f32 v11, v11;
	v2 =	vmul.f32 v9, v2  }
0xa6: {  	v5 =	vadd.f32 $9.999999970e-07, v5;
	[tilespmem:s14+$0x16440] =	vst v8;
	v3 =	vmul.f32 v3, v3;
	v7 =	vmul.f32 v7, v7  }
0xa7: {  	[tilespmem:s14+$0x16400] =	vst v2;
	v2 =	vmul.f32 v2, v14;
	v6 =	vmul.f32 v6, v6  }
0xa8: {  	[tilespmem:s14+$0x18440] =	vst v1;
	v1 =	vmul.f32 v5, v5;
	v3 =	vmul.f32 v11, v3  }
0xa9: {  	v8 =	vmul.f32 v12, v12;
	[tilespmem:s14+$0x18400] =	vst v2;
	v5 =	vmul.f32 v7, v6  }
0xaa: {  	[tilespmem:s14+$0x16410] =	vst v3;
	v3 =	vmul.f32 v3, v10  }
0xab: {  	v1 =	vmul.f32 v1, v8;
	[tilespmem:s14+$0x16420] =	vst v5  }
0xac: {  	v6 =	vmul.f32 v5, v18;
	[tilespmem:s14+$0x18410] =	vst v3  }
0xad: {  	v2 =	vmul.f32 v1, v4;
	[tilespmem:s14+$0x16430] =	vst v1  }
0xae: {  	[tilespmem:s14+$0x18420] =	vst v6  }
0xaf: {  	[tilespmem:s14+$0x18430] =	vst v2  }
0xb0: {  	_ =	swait.ge [sflag:s12], $0xFA0  }
0xb1: {  	[sflag:s12] =	ssyncset.done $0x0  }
0xb2: {  	[sflag:s12] =	ssyncadd.s32 $0xFFFFF060  }
0xb3: {  	_ =	swait.ge [sflag:s12], $0xFA0  }
0xb4: {  	[sflag:s12] =	ssyncset.done $0x0  }
0xb5: {  	[sflag:s12] =	ssyncadd.s32 $0xFFFFF060  }
0xb6: {  	_ =	swait.ge [sflag:s12], $0xFA0  }
0xb7: {  	[sflag:s12] =	ssyncset.done $0x0  }
0xb8: {  	[sflag:s12] =	ssyncadd.s32 $0xFFFFF060  }
0xb9: {  	[spmem:s4] =	stream.indirect.scatter.add.f32 [tilespmem:s25], [sflag:$0x5], $0x1, s31, s26, $0xb8;
	[tilespmem:$0x1A400] =	vst v63  }
0xba: {  	_ =	swait.ge [sflag:s24], $0xFA0  }
0xbb: {  	[sflag:s24] =	ssyncset.done $0x0  }
0xbc: {  	[sflag:s24] =	ssyncadd.s32 $0xFFFFF060  }
0xbd: {  	[spmem:s5] =	stream.indirect.scatter.add.f32 [tilespmem:s16], [sflag:$0x5], $0x1, s31, s26, $0xb8;
	[tilespmem:$0x1A400] =	vst v63  }
0xbe: {  	_ =	swait.ge [sflag:s24], $0xFA0  }
0xbf: {  	[sflag:s24] =	ssyncset.done $0x0  }
0xc0: {  	s15 =	sshll.u32 s13, $0x1;
	[sflag:s24] =	ssyncadd.s32 $0xFFFFF060  }
0xc1: {  	[tilespmem:s17], [sflag:$0x4] =	stream.indirect.gather [spmem:s2], $0x1, s9, s26, $0xb8;
	[tilespmem:$0x1A400] =	vst v63  }
0xc2: {  	s14 =	smin.u32 s15, $0x2F  }
0xc3: {  	[tilespmem:s29], [sflag:$0x4] =	stream.indirect.gather [spmem:s2], $0x1, s10, s26, $0xb8;
	[tilespmem:$0x1A400] =	vst v63  }
0xc4: {  	s14 =	sshll.u32 s14, $0x5;
	_ =	swait.ge [sflag:s20], $0xFA0  }
0xc5: {  	s14 =	sadd.s32 s19, s14;
	[sflag:s20] =	ssyncset.done $0x0  }
0xc6: {  	s14 =	smul.u32 $0xFA0, s14;
	[sflag:s20] =	ssyncadd.s32 $0xFFFFF060  }
0xc7: {  	_ =	swait.ge [sflag:s20], $0xFA0  }
0xc8: {  	s14 =	sshrl.u32 s14, $0x3;
	[sflag:s20] =	ssyncset.done $0x0  }
0xc9: {  	s28 =	simm.s32 $0x0;
	s15 =	sadd.s32 s7, s14;
	[sflag:s20] =	ssyncadd.s32 $0xFFFFF060  }
0xca: {  	[tilespmem:s30], [sflag:$0x1] =	stream.linear.gather [hbm4b:s15+s28], $0xFA0, $0x38;
	[tilespmem:$0x1A400] =	vst v63  }
0xcb: {  	s15 =	sadd.s32 $0xC3500, s15  }
0xcc: {  	[tilespmem:s31], [sflag:$0x1] =	stream.linear.gather [hbm4b:s15+s28], $0xFA0, $0x38;
	[tilespmem:$0x1A400] =	vst v63  }
0xcd: {  	s14 =	sadd.s32 s1, s14;
	s15 =	simm.s32 $0x0  }
0xce: {  	[tilespmem:s3], [sflag:$0x1] =	stream.linear.gather [hbm4b:s14+s28], $0xFA0, $0x38;
	[tilespmem:$0x1A400] =	vst v63  }
0xcf: {  	v1 =	vld [tilespmem:s15+$0x13440]  }
0xd0: {  	v2 =	vld [tilespmem:s15+$0x15440]  }
0xd1: {  	v4 =	vld [tilespmem:s15+$0x13400]  }
0xd2: {  	v6 =	vld [tilespmem:s15+$0x15400]  }
0xd3: {  	v5 =	vld [tilespmem:s15+$0x13410]  }
0xd4: {  	v7 =	vld [tilespmem:s15+$0x11440]  }
0xd5: {  	v8 =	vld [tilespmem:s15+$0x15410];
	v3 =	vsub.f32 v1, v2  }
0xd6: {  	v10 =	vld [tilespmem:s15+$0x15420]  }
0xd7: {  	v2 =	vld [tilespmem:s15+$0x13420];
	v9 =	vadd.f32 $9.999999970e-07, v3  }
0xd8: {  	v12 =	vld [tilespmem:s15+$0x15430]  }
0xd9: {  	v6 =	vsub.f32 v4, v6;
	v7 =	vmul.f32 v7, v7;
	v3 =	vld [tilespmem:s15+$0x13430];
	v11 =	vmul.f32 v9, v9  }
0xda: {  	v13 =	vsub.f32 v5, v8;
	v9 =	vld [tilespmem:s15+$0x11400]  }
0xdb: {  	v8 =	vld [tilespmem:s15+$0x11410];
	v14 =	vadd.f32 $9.999999970e-07, v6;
	v11 =	vmul.f32 v11, v7  }
0xdc: {  	v6 =	vld [tilespmem:s15+$0x11420];
	v13 =	vadd.f32 $9.999999970e-07, v13;
	v15 =	vsub.f32 v2, v10  }
0xdd: {  	s14 =	simm.s32 $0x50;
	v10 =	vmul.f32 v14, v14;
	v7 =	vld [tilespmem:s15+$0x11430];
	[tilespmem:s15+$0x17440] =	vst v11;
	v14 =	vmul.f32 v11, v1  }
0xde: {  	s28 =	simm.s32 $0x280;
	v12 =	vsub.f32 v3, v12;
	v11 =	vmul.f32 v13, v13;
	v13 =	vadd.f32 $9.999999970e-07, v15;
	v1 =	vld [tilespmem:s14+$0x13440]  }
.LBB2_7:
0xdf: {  	p0 =	sne.s32 s28, $0x3D40;
	v15 =	vld [tilespmem:s14+$0x15440];
	v9 =	vmul.f32 v9, v9;
	[tilespmem:s15+$0x19440] =	vst v14  }
0xe0: {  	v14 =	vld [tilespmem:s14+$0x13400];
	v8 =	vmul.f32 v8, v8;
	v13 =	vmul.f32 v13, v13;
	v12 =	vadd.f32 $9.999999970e-07, v12  }
0xe1: {  	v16 =	vld [tilespmem:s14+$0x15400];
	v9 =	vmul.f32 v10, v9;
	v6 =	vmul.f32 v6, v6  }
0xe2: {  	v10 =	vld [tilespmem:s14+$0x13410];
	v7 =	vmul.f32 v7, v7;
	v12 =	vmul.f32 v12, v12  }
0xe3: {  	v8 =	vmul.f32 v11, v8;
	v17 =	vld [tilespmem:s14+$0x11440];
	[tilespmem:s15+$0x17400] =	vst v9;
	v6 =	vmul.f32 v13, v6  }
0xe4: {  	v9 =	vmul.f32 v9, v4;
	v11 =	vld [tilespmem:s14+$0x15410];
	v13 =	vsub.f32 v1, v15;
	v7 =	vmul.f32 v12, v7  }
0xe5: {  	v18 =	vmul.f32 v8, v5;
	[tilespmem:s15+$0x17410] =	vst v8;
	v8 =	vmul.f32 v6, v2;
	v2 =	vld [tilespmem:s14+$0x13420];
	v4 =	vmov v14  }
0xe6: {  	v12 =	vsub.f32 v4, v16;
	v14 =	vld [tilespmem:s14+$0x15420];
	v13 =	vadd.f32 $9.999999970e-07, v13;
	[tilespmem:s15+$0x19400] =	vst v9;
	v15 =	vmul.f32 v7, v3  }
0xe7: {  	v3 =	vld [tilespmem:s14+$0x13430];
	[tilespmem:s15+$0x19410] =	vst v18;
	v5 =	vmov v10  }
0xe8: {  	v10 =	vadd.f32 $9.999999970e-07, v12;
	v12 =	vld [tilespmem:s14+$0x15430];
	v16 =	vmul.f32 v17, v17;
	v13 =	vmul.f32 v13, v13;
	[tilespmem:s15+$0x19420] =	vst v8  }
.Ltmp2:
0xe9: {  	v9 =	vld [tilespmem:s14+$0x11400];
	v11 =	vsub.f32 v5, v11;
	[tilespmem:s15+$0x19430] =	vst v15;
	(pc) =	sbr.rel @p0 .LBB2_7-.Ltmp2, $4  }
0xea: {  	v10 =	vmul.f32 v10, v10;
	v8 =	vld [tilespmem:s14+$0x11410];
	v13 =	vmul.f32 v13, v16;
	[tilespmem:s15+$0x17420] =	vst v6  }
0xeb: {  	v11 =	vadd.f32 $9.999999970e-07, v11;
	v6 =	vld [tilespmem:s14+$0x11420];
	v15 =	vsub.f32 v2, v14;
	[tilespmem:s15+$0x17430] =	vst v7;
	s15 =	smov.u32 s14  }
0xec: {  	s14 =	sshra.s32 s28, $0x2;
	v7 =	vld [tilespmem:s15+$0x11430];
	[tilespmem:s15+$0x17440] =	vst v13;
	v14 =	vmul.f32 v13, v1  }
0xed: {  	s28 =	sadd.s32 $0x140, s28;
	v1 =	vld [tilespmem:s14+$0x13440];
	v11 =	vmul.f32 v11, v11;
	v13 =	vadd.f32 $9.999999970e-07, v15;
	v12 =	vsub.f32 v3, v12  }
0xee: {  	v15 =	vld [tilespmem:s14+$0x15440];
	[tilespmem:s15+$0x19440] =	vst v14;
	v9 =	vmul.f32 v9, v9  }
0xef: {  	v14 =	vld [tilespmem:s14+$0x13400];
	v8 =	vmul.f32 v8, v8;
	v13 =	vmul.f32 v13, v13  }
0xf0: {  	v16 =	vld [tilespmem:s14+$0x15400];
	v55 =	vadd.f32 $9.999999970e-07, v12;
	v9 =	vmul.f32 v10, v9;
	v6 =	vmul.f32 v6, v6  }
0xf1: {  	v53 =	vld [tilespmem:s14+$0x13410];
	v8 =	vmul.f32 v11, v8;
	v7 =	vmul.f32 v7, v7  }
0xf2: {  	v17 =	vld [tilespmem:s14+$0x11440];
	[tilespmem:s15+$0x17400] =	vst v9;
	v4 =	vmul.f32 v9, v4;
	v9 =	vmul.f32 v55, v55  }
0xf3: {  	v6 =	vmul.f32 v13, v6;
	v54 =	vld [tilespmem:s14+$0x15410]  }
0xf4: {  	v18 =	vld [tilespmem:s14+$0x13420];
	[tilespmem:s15+$0x17410] =	vst v8;
	v5 =	vmul.f32 v8, v5;
	v57 =	vsub.f32 v1, v15;
	v7 =	vmul.f32 v9, v7  }
0xf5: {  	v56 =	vld [tilespmem:s14+$0x15420];
	[tilespmem:s15+$0x19400] =	vst v4;
	v2 =	vmul.f32 v6, v2  }
0xf6: {  	v4 =	vld [tilespmem:s14+$0x13430];
	[tilespmem:s15+$0x19410] =	vst v5;
	v8 =	vadd.f32 $9.999999970e-07, v57;
	v3 =	vmul.f32 v7, v3  }
0xf7: {  	v5 =	vld [tilespmem:s14+$0x15430];
	[tilespmem:s15+$0x19420] =	vst v2  }
0xf8: {  	v58 =	vsub.f32 v14, v16;
	v59 =	vmul.f32 v17, v17;
	v2 =	vld [tilespmem:s14+$0x11400];
	v8 =	vmul.f32 v8, v8;
	[tilespmem:s15+$0x19430] =	vst v3  }
0xf9: {  	v3 =	vld [tilespmem:s14+$0x11410]  }
0xfa: {  	v9 =	vadd.f32 $9.999999970e-07, v58;
	v11 =	vsub.f32 v53, v54;
	[tilespmem:s15+$0x17420] =	vst v6;
	v8 =	vmul.f32 v8, v59  }
0xfb: {  	v60 =	vsub.f32 v18, v56;
	v6 =	vld [tilespmem:s14+$0x11420]  }
0xfc: {  	v9 =	vmul.f32 v9, v9;
	[tilespmem:s15+$0x17430] =	vst v7;
	v11 =	vadd.f32 $9.999999970e-07, v11;
	v1 =	vmul.f32 v8, v1  }
0xfd: {  	v61 =	vld [tilespmem:s14+$0x11430];
	v7 =	vadd.f32 $9.999999970e-07, v60;
	v5 =	vsub.f32 v4, v5;
	v2 =	vmul.f32 v2, v2  }
0xfe: {  	v11 =	vmul.f32 v11, v11;
	v3 =	vmul.f32 v3, v3  }
0xff: {  	[tilespmem:s14+$0x17440] =	vst v8;
	v7 =	vmul.f32 v7, v7;
	v5 =	vadd.f32 $9.999999970e-07, v5;
	v2 =	vmul.f32 v9, v2  }
0x100: {  	[tilespmem:s14+$0x19440] =	vst v1;
	v6 =	vmul.f32 v6, v6;
	v3 =	vmul.f32 v11, v3  }
0x101: {  	v1 =	vmul.f32 v5, v5;
	[tilespmem:s14+$0x17400] =	vst v2;
	v2 =	vmul.f32 v2, v14  }
0x102: {  	v62 =	vmul.f32 v61, v61;
	v63 =	vmul.f32 v7, v6;
	[tilespmem:s14+$0x17410] =	vst v3  }
0x103: {  	v3 =	vmul.f32 v3, v53;
	[tilespmem:s14+$0x19400] =	vst v2  }
0x104: {  	v1 =	vmul.f32 v1, v62;
	[tilespmem:s14+$0x17420] =	vst v63  }
0x105: {  	v6 =	vmul.f32 v63, v18;
	[tilespmem:s14+$0x19410] =	vst v3  }
0x106: {  	v2 =	vmul.f32 v1, v4;
	[tilespmem:s14+$0x17430] =	vst v1  }
0x107: {  	[tilespmem:s14+$0x19420] =	vst v6  }
0x108: {  	[tilespmem:s14+$0x19430] =	vst v2  }
0x109: {  	_ =	swait.ge [sflag:s23], $0xFA0  }
0x10a: {  	[sflag:s23] =	ssyncset.done $0x0  }
0x10b: {  	[sflag:s23] =	ssyncadd.s32 $0xFFFFF060  }
0x10c: {  	_ =	swait.ge [sflag:s23], $0xFA0  }
0x10d: {  	[sflag:s23] =	ssyncset.done $0x0  }
0x10e: {  	[sflag:s23] =	ssyncadd.s32 $0xFFFFF060  }
0x10f: {  	_ =	swait.ge [sflag:s23], $0xFA0  }
0x110: {  	[sflag:s23] =	ssyncset.done $0x0  }
0x111: {  	[sflag:s23] =	ssyncadd.s32 $0xFFFFF060  }
0x112: {  	[spmem:s4] =	stream.indirect.scatter.add.f32 [tilespmem:s21], [sflag:$0x5], $0x1, s10, s26, $0xb8;
	[tilespmem:$0x1A400] =	vst v63  }
0x113: {  	s13 =	sadd.s32 $0x1, s13;
	_ =	swait.ge [sflag:s24], $0xFA0  }
0x114: {  	p0 =	sne.s32 s13, $0x19;
	[sflag:s24] =	ssyncset.done $0x0  }
.Ltmp3:
0x115: {  	[sflag:s24] =	ssyncadd.s32 $0xFFFFF060;
	(pc) =	sbr.rel @p0 .LBB2_4-.Ltmp3, $4  }
0x116: {  	[spmem:s5] =	stream.indirect.scatter.add.f32 [tilespmem:s22], [sflag:$0x5], $0x1, s10, s26, $0xb8;
	[tilespmem:$0x1A400] =	vst v63  }
0x117: {  	_ =	swait.ge [sflag:s24], $0xFA0  }
0x118: {  	[sflag:s24] =	ssyncset.done $0x0  }
0x119: {  	[sflag:s24] =	ssyncadd.s32 $0xFFFFF060  }
0x11a: {  	s6 =	stileid.u32;
	[bflag:$0x0] =	sbarrier.arrive $0xFFFF  }
0x11b: {  	s6 =	sshll.u32 s6, $0x6;
	s15 =	rddreg [dreg:$0xb]  }
0x11c: {  	s14 =	rddreg [dreg:$0x10];
	s6 =	sor.u32 $0x1C05, s6;
	s13 =	sshrl.u32 s15, $0x3  }
0x11d: {  	[hbm:s14], [sflag:s6] =	dma.local [spmem:s13], $0x310  }
0x11e: {  	_ =	swait.ge [sflag:s24], $0x310  }
0x11f: {  	[sflag:s24] =	ssyncset.done $0x0;
	s28 =	rddreg [dreg:$0xc]  }
0x120: {  	s14 =	rddreg [dreg:$0x11];
	[sflag:s24] =	ssyncadd.s32 $0xFFFFFCF0;
	s13 =	sshrl.u32 s28, $0x3  }
0x121: {  	[hbm:s14], [sflag:s6] =	dma.local [spmem:s13], $0x310  }
0x122: {  	_ =	swait.ge [sflag:s24], $0x310  }
0x123: {  	s6 =	rddreg [dreg:$0x13]  }
0x124: {  	s14 =	rddreg [dreg:$0x12];
	s13 =	sadd.s32 $0x1, s6  }
0x125: {  	p0 =	sne.s32 s13, s14  }
.Ltmp4:
0x126: {  	_ = 	snop;
	(pc) =	sbr.rel @p0 .LBB2_1-.Ltmp4, $3  }
0x127: {  	_ =	sdelay $0x1  }
0x128: {  	[sflag:s24] =	ssyncset.done $0x0  }
0x129: {  	[sflag:s24] =	ssyncadd.s32 $0xFFFFFCF0  }
0x12a: {  	_ =	sfence.sel $0x180000  }
0x12b: {  	[bflag:$0x0] =	sbarrier.arrive $0xFFFF  }
0x12c: {  	_ =	strace $0x9000004D  }
0x12d: {  	s0 =	stileid.u32;
	[bflag:$0x2] =	sbarrier.arrive $0xFFFF  }
0x12e: {  	p0 =	sne.s32 s0, $0x0;
	s0 =	rddreg [dreg:$0x5]  }
0x12f: {  	s0 =	sadd.s32 @!p0 $0x100000, s0  }
0x130: {  	[sflag:s0] =	ssyncadd.tile.s32 @!p0 $0x1;
	_ =	shalt  }
.Lfunc_end2:
_tile_overlayer_lowered:
.L_overlay_start_2:
0x131: {  	(tag) =	ssettag $0x2  }
0x132: {  	s0 =	rddreg [dreg:$0x0];
	s2 =	stileid.u32  }
0x133: {  	s1 =	rddreg [dreg:$0x1];
	p0 =	sne.s32 s2, $0x0  }
0x134: {  	s3 =	rddreg [dreg:$0x2];
	[bflag:$0x3] =	sbarrier.arrive $0xFFFF;
	s2 =	simm.s32 @!p0 $0x1C05  }
0x135: {  	[timem:s3], [sflag:s2] =	dma.local @!p0 [hbm:s0], s1  }
0x136: {  	s0 =	simm.s32 @!p0 $0x5  }
0x137: {  	_ =	swait.ge @!p0 [sflag:s0], s1  }
0x138: {  	s1 =	ssub.s32 @!p0 $0x0, s1;
	[sflag:s0] =	ssyncset.done @!p0 $0x0  }
0x139: {  	[sflag:s0] =	ssyncadd.s32 @!p0 s1  }
0x13a: {  	[bflag:$0x3] =	sbarrier.arrive $0xFFFF  }
0x13b: {  	_ =	shalt  }

// kernel: kernel.3.cloned.1.call-start
scs
__scs_entry_jumppad:
0x0: {  	(pc) =	sbr.rel $0x88, $3  }
0x1: {  	(tag) =	ssettag $0x0;
	lr =	simm.s32 $0x1  }
0x2: {  	[smem:$0x3F9D] =	sst lr;
	_ =	strace $0xD0000000  }
0x3: {  	_ = 	snop  }
0x4: {  	_ = 	snop  }
0x5: {  	_ = 	snop  }
0x6: {  	_ = 	snop  }
0x7: {  	_ = 	snop  }
__scs_overlays_trampoline_lowered:
0x8: {  	[smem:$0x3FAC] =	sst s0  }
0x9: {  	[smem:$0x3FAD] =	sst s1  }
0xa: {  	[smem:$0x3FAE] =	sst s2  }
0xb: {  	[smem:$0x3FAF] =	sst s3  }
0xc: {  	[smem:$0x3FB0] =	sst s4  }
0xd: {  	[smem:$0x3FB1] =	sst s5  }
0xe: {  	[smem:$0x3FB2] =	sst s6  }
0xf: {  	[smem:$0x3FB3] =	sst s7  }
0x10: {  	[smem:$0x3FB4] =	sst s8  }
0x11: {  	[smem:$0x3FB5] =	sst s9;
	s0 =	simm.s32 @!p0 $0x0  }
0x12: {  	s1 =	sld [smem:$0x3F9B];
	s0 =	simm.s32 @p0 $0x1  }
0x13: {  	[smem:$0x3FB6] =	sst s0;
	s0 =	simm.s32 @!p1 $0x0  }
0x14: {  	s2 =	sld [smem:$0x3F9A];
	s0 =	simm.s32 @p1 $0x1  }
0x15: {  	[smem:$0x3FB7] =	sst s0;
	s0 =	simm.s32 @!p2 $0x0  }
0x16: {  	s3 =	sld [smem:$0x3FDB];
	s0 =	simm.s32 @p2 $0x1  }
0x17: {  	s4 =	simm.s32 $0x1BF5;
	[smem:$0x3FB9] =	sst s0  }
0x18: {  	s0 =	sld [smem:$0x3F9C];
	_ =	swait.ge [sflag:s4], $0x0  }
0x19: {  	s7 =	sld [smem:$0x3F9D]  }
0x1a: {  	s8 =	sadd.s32 $0xFFFFE003, lr  }
0x1b: {  	s9 =	sadd.s32 $0xFFFFFEF7, lr;
	s5 =	simm.s32 $0xFFFFFFFF;
	p2 =	slt.u32 s8, $0xFFFFF086  }
0x1c: {  	p1 =	slt.u32 s9, $0xF7A;
	s5 =	simm.s32 @!p2 $0x0  }
0x1d: {  	s5 =	simm.s32 @p1 $0x1;
	p0 =	seq.s32 s7, s2  }
0x1e: {  	s7 =	smul.u32 @!p0 $0xF7A, s2;
	p2 =	seq.s32 @!p0 s5, $0x0  }
0x1f: {  	s9 =	smul.u32 $0xF7A, s1;
	s8 =	simm.s32 @!p0 $0x1BF5;
	p2 =	por !p2, p0  }
0x20: {  	[sflag:s8] =	ssyncset.s32 @!p0 $0xFFFFF086;
	s6 =	sadd.s32 @!p0 s3, s7;
	s7 =	simm.s32 @!p0 $0x108  }
0x21: {  	s3 =	sadd.s32 s3, s9;
	s6 =	sadd.s32 @!p0 $0x88, s6;
	s7 =	simm.s32 @p2 $0x1082  }
0x22: {  	[simem:s7], [sflag:s8] =	dma.local @!p0 [hbm:s6], $0xF7A  }
0x23: {  	s9 =	sor.u32 $0xD0000000, s2;
	s6 =	simm.s32 $0x108;
	_ =	swait.ge @!p0 [sflag:s8], $0x0  }
0x24: {  	s3 =	sadd.s32 $0x88, s3;
	s6 =	simm.s32 @!p1 $0x1082;
	[sflag:s4] =	ssyncset.s32 $0xFFFFF086  }
0x25: {  	[simem:s6], [sflag:s4] =	dma.local [hbm:s3], $0xF7A  }
0x26: {  	[smem:$0x3F9D] =	sst s1;
	(tag) =	ssettag s2;
	_ =	strace s9  }
0x27: {  	s1 =	sld [smem:$0x3FAD]  }
0x28: {  	s2 =	sld [smem:$0x3FAE]  }
0x29: {  	s4 =	sld [smem:$0x3FB0]  }
0x2a: {  	p0 =	seq.s32 s5, $0x0;
	s5 =	sld [smem:$0x3FB1]  }
0x2b: {  	s6 =	sld [smem:$0x3FB2]  }
0x2c: {  	s7 =	sld [smem:$0x3FB3]  }
0x2d: {  	s3 =	simm.s32 $0x108;
	s8 =	sld [smem:$0x3FB4]  }
0x2e: {  	s3 =	simm.s32 @!p0 $0x1082;
	s9 =	sld [smem:$0x3FB5]  }
0x2f: {  	lr =	sadd.s32 s0, s3;
	s0 =	sld [smem:$0x3FAC]  }
0x30: {  	s3 =	sld [smem:$0x3FAF]  }
0x31: {  	[smem:$0x3FB8] =	sst s10  }
0x32: {  	s10 =	sld [smem:$0x3FB6];
	_ =	sdelay $0x3  }
0x33: {  	p0 =	seq.s32 s10, $0x1;
	s10 =	sld [smem:$0x3FB8];
	_ =	sdelay $0x3  }
0x34: {  	[smem:$0x3FB8] =	sst s10  }
0x35: {  	s10 =	sld [smem:$0x3FB7];
	_ =	sdelay $0x3  }
0x36: {  	p1 =	seq.s32 s10, $0x1;
	s10 =	sld [smem:$0x3FB8];
	_ =	sdelay $0x3  }
0x37: {  	[smem:$0x3FB8] =	sst s10  }
0x38: {  	s10 =	sld [smem:$0x3FB9]  }
0x39: {  	_ = 	snop;
	(pc) =	sbr.ind lr, $3  }
0x3a: {  	_ = 	snop  }
0x3b: {  	_ = 	snop  }
0x3c: {  	p2 =	seq.s32 s10, $0x1;
	s10 =	sld [smem:$0x3FB8]  }
0x3d: {  	_ =	shalt  }
0x3e: {  	_ =	shalt  }
0x3f: {  	_ =	shalt  }
0x40: {  	_ =	shalt  }
0x41: {  	_ =	shalt  }
0x42: {  	_ =	shalt  }
0x43: {  	_ =	shalt  }
0x44: {  	_ =	shalt  }
0x45: {  	_ =	shalt  }
0x46: {  	_ =	shalt  }
0x47: {  	_ =	shalt  }
0x48: {  	_ =	shalt  }
0x49: {  	_ =	shalt  }
0x4a: {  	_ =	shalt  }
0x4b: {  	_ =	shalt  }
0x4c: {  	_ =	shalt  }
0x4d: {  	_ =	shalt  }
0x4e: {  	_ =	shalt  }
0x4f: {  	_ =	shalt  }
0x50: {  	_ =	shalt  }
0x51: {  	_ =	shalt  }
0x52: {  	_ =	shalt  }
0x53: {  	_ =	shalt  }
0x54: {  	_ =	shalt  }
0x55: {  	_ =	shalt  }
0x56: {  	_ =	shalt  }
0x57: {  	_ =	shalt  }
0x58: {  	_ =	shalt  }
0x59: {  	_ =	shalt  }
0x5a: {  	_ =	shalt  }
0x5b: {  	_ =	shalt  }
0x5c: {  	_ =	shalt  }
0x5d: {  	_ =	shalt  }
0x5e: {  	_ =	shalt  }
0x5f: {  	_ =	shalt  }
0x60: {  	_ =	shalt  }
0x61: {  	_ =	shalt  }
0x62: {  	_ =	shalt  }
0x63: {  	_ =	shalt  }
0x64: {  	_ =	shalt  }
0x65: {  	_ =	shalt  }
0x66: {  	_ =	shalt  }
0x67: {  	_ =	shalt  }
0x68: {  	_ =	shalt  }
0x69: {  	_ =	shalt  }
0x6a: {  	_ =	shalt  }
0x6b: {  	_ =	shalt  }
0x6c: {  	_ =	shalt  }
0x6d: {  	_ =	shalt  }
0x6e: {  	_ =	shalt  }
0x6f: {  	_ =	shalt  }
0x70: {  	_ =	shalt  }
0x71: {  	_ =	shalt  }
0x72: {  	_ =	shalt  }
0x73: {  	_ =	shalt  }
0x74: {  	_ =	shalt  }
0x75: {  	_ =	shalt  }
0x76: {  	_ =	shalt  }
0x77: {  	_ =	shalt  }
0x78: {  	_ =	shalt  }
0x79: {  	_ =	shalt  }
0x7a: {  	_ =	shalt  }
0x7b: {  	_ =	shalt  }
0x7c: {  	_ =	shalt  }
0x7d: {  	_ =	shalt  }
0x7e: {  	_ =	shalt  }
0x7f: {  	_ =	shalt  }
0x80: {  	_ =	shalt  }
0x81: {  	_ =	shalt  }
0x82: {  	_ =	shalt  }
0x83: {  	_ =	shalt  }
0x84: {  	_ =	shalt  }
0x85: {  	_ =	shalt  }
0x86: {  	_ =	shalt  }
0x87: {  	_ =	shalt  }
.Lfunc_end0:
.L_simem_size_0:
called_computation.2_lowered:
.L_overlay_start_0:
0x88: {  	s2 =	sld [smem:$0x3FD9]  }
0x89: {  	s3 =	sld [smem:$0x3FFE];
	_ =	sdelay $0x1  }
0x8a: {  	s1 =	srdreg.scid  }
0x8b: {  	s0 =	sand.u32 $0x1, s1  }
0x8c: {  	s16 =	sshll.u32 s0, $0xA;
	s2 =	sadd.s32 s3, s2  }
0x8d: {  	s2 =	sadd.s32 s2, s16  }
0x8e: {  	[smem:$0x3FC4] =	sst s2  }
0x8f: {  	_ = 	snop  }
0x90: {  	(tm) =	ssettm $0x1  }
0x91: {  	s17 =	sld [smem:$0x3FFB];
	_ =	sdelay $0x3  }
0x92: {  	_ =	strace s17  }
0x93: {  	s2 =	sld [smem:$0x3FFC];
	_ =	sdelay $0x3  }
0x94: {  	_ =	strace s2  }
0x95: {  	s2 =	sld [smem:$0x3FFD];
	_ =	sdelay $0x3  }
0x96: {  	_ =	strace s2  }
0x97: {  	_ =	strace $0x8FFFFFFF  }
0x98: {  	s18 =	sld [smem:$0x3FDB];
	_ =	sdelay $0x1  }
0x99: {  	s19 =	simm.s32 $_scs_section_size  }
0x9a: {  	s4 =	simm.s32 $_size__tile_overlayer_lowered;
	s5 =	simm.s32 $_tile_overlayer_lowered  }
0x9b: {  	s22 =	simm.s32 $0x1BFF;
	s21 =	sshll.u32 s5, $0x1;
	s2 =	sadd.s32 s19, s18  }
0x9c: {  	s6 =	simm.s32 $0x0;
	s20 =	sshll.u32 s4, $0x1;
	s4 =	sadd.s32 s21, s2  }
0x9d: {  	[timem:s6], [sflag:s22] =	dma.local [hbm:s4], s20  }
0x9e: {  	_ =	swait.ge [sflag:s22], s20  }
0x9f: {  	s3 =	ssub.s32 $0x0, s20;
	[sflag:s22] =	ssyncset.done $0x0  }
0xa0: {  	[sflag:s22] =	ssyncadd.s32 s3;
	_ =	sdelay $0x1  }
0xa1: {  	s23 =	simm.s32 $0x1B8B  }
0xa2: {  	_ =	swait.ge [sflag:s23], $0x1  }
0xa3: {  	[sflag:s23] =	ssyncset.done $0x0  }
0xa4: {  	s25 =	simm.s32 $0x1B8E;
	s24 =	sld [smem:$0x3FFE];
	[sflag:s23] =	ssyncadd.s32 $0xFFFFFFFF  }
0xa5: {  	s26 =	simm.s32 $execute0_lowered;
	[smem:$0x3FD2] =	sst s25  }
0xa6: {  	s4 =	sshll.u32 s26, $0x1;
	_ =	strace $0x80000049;
	[dreg:$0x1] =	wrdreg $0xFFFFFFFF  }
0xa7: {  	s28 =	simm.s32 $_size_execute0_lowered;
	s2 =	sadd.s32 s2, s4;
	[dreg:$0x0] =	wrdreg $0x0  }
0xa8: {  	s4 =	sshll.u32 s28, $0x1;
	[dreg:$0x2] =	wrdreg s2  }
0xa9: {  	[dreg:$0x3] =	wrdreg s4  }
0xaa: {  	[dreg:$0x4] =	wrdreg $0xC0  }
0xab: {  	_ =	task [dreg:s6], $0x5FFFF  }
0xac: {  	[dreg:$0x1] =	wrdreg $0xFFFFFFFF  }
0xad: {  	[dreg:$0x0] =	wrdreg $0x60  }
0xae: {  	[dreg:$0x2] =	wrdreg s24  }
0xaf: {  	[dreg:$0x3] =	wrdreg $0x9  }
0xb0: {  	_ =	task.clear_ibuf [dreg:s6], $0x4FFFF;
	_ =	strace $0x90000049  }
0xb1: {  	s29 =	simm.s32 $0x9;
	_ =	strace $0x8000004B  }
0xb2: {  	_ =	swait.ge [sflag:s29], $0x1  }
0xb3: {  	[sflag:s29] =	ssyncadd.s32 $0xFFFFFFFF  }
0xb4: {  	_ =	strace $0x9000004B  }
0xb5: {  	_ =	sfence  }
0xb6: {  	s30 =	sld [smem:$0x0];
	_ =	sdelay $0x2  }
0xb7: {  	s31 =	sshll.u32 s1, $0xD;
	s1 =	sshrl.u32 s1, $0x2  }
0xb8: {  	s3 =	sand.u32 $0x4000, s31;
	s1 =	sadd.s32 s1, s30  }
0xb9: {  	s0 =	sor.u32 s3, s0;
	s1 =	sshll.u32 s1, $0x11  }
0xba: {  	s0 =	sor.u32 s1, s0  }
0xbb: {  	s0 =	sadd.s32 $0x8F2B, s0  }
0xbc: {  	[sflag:s0] =	ssyncadd.remote.s32 $0x1  }
0xbd: {  	_ =	sfence.sel $0xFFFF  }
0xbe: {  	[dreg:$0x0] =	wrdreg $0xFFFFFFFF;
	(pc) =	sbr.abs _section_cstart, $3  }
0xbf: {  	[dreg:$0x1] =	wrdreg $0xFFFFFFFF  }
0xc0: {  	_ =	task.clear_ibuf [dreg:s6], $0x2FFFF;
	_ =	strace $0x9FFFFFFF  }
0xc1: {  	(tm) =	ssettm $0x7FFFFFFF  }
tec
execute0_lowered:
.L_overlay_start_1:
0x0: {  	(tag) =	ssettag $0x1  }
0x1: {  	s1 =	srdreg.scid  }
0x2: {  	s1 =	sand.u32 $0x1, s1  }
0x3: {  	p0 =	seq.s32 s1, $0x1  }
.Ltmp0:
0x4: {  	_ = 	snop;
	(pc) =	sbr.rel @p0 .LBB2_4-.Ltmp0, $4  }
0x5: {  	_ = 	snop  }
0x6: {  	s3 =	rddreg [dreg:$0x0];
	s2 =	simm.s32 $0x0  }
0x7: {  	[smem:$0x7FF] =	sst s2  }
0x8: {  	s0 =	rddreg [dreg:$0x1];
	_ =	strace $0x8000004A;
	s1 =	stileid.u32  }
0x9: {  	s4 =	smul.u32 $0x1880, s1;
	_ =	sdelay $0x1  }
0xa: {  	s5 =	sadd.s32 $0x187600, s3;
	s4 =	sshrl.u32 s4, $0x3  }
0xb: {  	s6 =	simm.s32 $0x3100;
	s28 =	simm.s32 $0x1;
	s5 =	sadd.s32 s5, s4  }
0xc: {  	[tilespmem:s6], [sflag:$0x1] =	stream.linear.gather [hbm4b:s5+s2], $0x1880, $0x38;
	[tilespmem:$0x6200] =	vst v63  }
0xd: {  	_ =	swait.ge [sflag:s28], $0x1880  }
0xe: {  	[sflag:s28] =	ssyncset.done $0x0  }
0xf: {  	s7 =	sadd.s32 $0x3100, s5;
	[sflag:s28] =	ssyncadd.s32 $0xFFFFE780  }
0x10: {  	[tilespmem:s2], [sflag:$0x1] =	stream.linear.gather [hbm4b:s7+s2], $0x1880, $0x38;
	[tilespmem:$0x6200] =	vst v63  }
0x11: {  	_ =	swait.ge [sflag:s28], $0x1880  }
0x12: {  	[sflag:s28] =	ssyncset.done $0x0  }
0x13: {  	s8 =	simm.s32 $0x4980;
	s29 =	sadd.s32 $0x6200, s5;
	[sflag:s28] =	ssyncadd.s32 $0xFFFFE780  }
0x14: {  	[tilespmem:s8], [sflag:$0x1] =	stream.linear.gather [hbm4b:s29+s2], $0x1880, $0x38;
	[tilespmem:$0x6200] =	vst v63  }
0x15: {  	_ =	swait.ge [sflag:s28], $0x1880  }
0x16: {  	[sflag:s28] =	ssyncset.done $0x0  }
0x17: {  	s30 =	simm.s32 $0x1880;
	s5 =	sadd.s32 $0x9300, s5;
	[sflag:s28] =	ssyncadd.s32 $0xFFFFE780  }
0x18: {  	[tilespmem:s30], [sflag:$0x1] =	stream.linear.gather [hbm4b:s5+s2], $0x1880, $0x38;
	[tilespmem:$0x6200] =	vst v63  }
0x19: {  	_ =	swait.ge [sflag:s28], $0x1880  }
0x1a: {  	[sflag:s28] =	ssyncset.done $0x0  }
0x1b: {  	s2 =	simm.s32 $0x0;
	[sflag:s28] =	ssyncadd.s32 $0xFFFFE780  }
0x1c: {  	v0 =	vld [tilespmem:s2+$0x3100]  }
0x1d: {  	v1 =	vld [tilespmem:s2+$0x4980];
	_ =	sdelay $0x4  }
0x1e: {  	v0 =	vadd.f32 v1, v0;
	_ =	sdelay $0x1  }
0x1f: {  	v2 =	vadd.f32 $1.000000000e+00, v0;
	_ =	sdelay $0x1  }
0x20: {  	v1 =	vld [tilespmem:s2+$0x0];
	(erf) = vrcp.f32 v2  }
0x21: {  	s31 =	sadd.s32 s4, s3;
	s4 =	simm.s32 $0x10;
	v0 =	vld [tilespmem:s2+$0x1880]  }
0x22: {  	s3 =	sadd.s32 $0xC00, s31;
	s5 =	simm.s32 $0x80;
	v2 =	vld [tilespmem:s4+$0x3100]  }
.LBB2_2:
0x23: {  	p0 =	sne.s32 s5, $0x61C0;
	v3 =	vld [tilespmem:s4+$0x4980];
	_ =	sdelay $0x2  }
0x24: {  	v0 =	vadd.f32 v0, v1;
	_ =	sdelay $0x1  }
0x25: {  	v1 =	vadd.f32 v3, v2;
	v0 =	vadd.f32 $5.000000070e-02, v0  }
0x26: {  	v2 =	vpop (erf)  }
.Ltmp1:
0x27: {  	v1 =	vadd.f32 $1.000000000e+00, v1;
	v2 =	vmul.f32 v2, v0;
	(pc) =	sbr.rel @p0 .LBB2_2-.Ltmp1, $4  }
0x28: {  	_ = 	snop  }
0x29: {  	v0 =	vld [tilespmem:s4+$0x1880];
	(erf) = vrcp.f32 v1;
	[tilespmem:s2+$0x0] =	vst v2;
	s2 =	smov.u32 s4  }
0x2a: {  	s4 =	sshra.s32 s5, $0x2;
	v1 =	vld [tilespmem:s2+$0x0]  }
0x2b: {  	s5 =	sadd.s32 $0x40, s5;
	v2 =	vld [tilespmem:s4+$0x3100]  }
0x2c: {  	v3 =	vld [tilespmem:s4+$0x4980];
	_ =	sdelay $0x2  }
0x2d: {  	v0 =	vadd.f32 v0, v1;
	_ =	sdelay $0x1  }
0x2e: {  	v61 =	vadd.f32 v3, v2;
	v0 =	vadd.f32 $5.000000070e-02, v0  }
0x2f: {  	v62 =	vpop (erf)  }
0x30: {  	v1 =	vadd.f32 $1.000000000e+00, v61;
	v0 =	vmul.f32 v62, v0;
	_ =	sdelay $0x1  }
0x31: {  	v63 =	vld [tilespmem:s4+$0x1880];
	(erf) = vrcp.f32 v1;
	[tilespmem:s2+$0x0] =	vst v0  }
0x32: {  	v0 =	vld [tilespmem:s4+$0x0];
	_ =	sdelay $0x4  }
0x33: {  	v0 =	vadd.f32 v63, v0;
	_ =	sdelay $0x1  }
0x34: {  	v0 =	vadd.f32 $5.000000070e-02, v0  }
0x35: {  	v1 =	vpop (erf)  }
0x36: {  	v0 =	vmul.f32 v1, v0;
	_ =	sdelay $0x1  }
0x37: {  	s30 =	simm.s32 $0x0;
	s31 =	simm.s32 $0x1;
	[tilespmem:s4+$0x0] =	vst v0  }
0x38: {  	[hbm4b:s3+s30] =	stream.linear.scatter [tilespmem:s30], [sflag:$0x1], $0x1880, $0x38;
	[tilespmem:$0x6200] =	vst v63  }
0x39: {  	_ =	swait.ge [sflag:s31], $0x1880  }
0x3a: {  	[sflag:s31] =	ssyncset.done $0x0  }
0x3b: {  	[sflag:s31] =	ssyncadd.s32 $0xFFFFE780  }
.LBB2_4:
0x3c: {  	_ =	sfence.sel $0x180000  }
0x3d: {  	[bflag:$0x0] =	sbarrier.arrive $0xFFFF  }
0x3e: {  	p0 =	sne.s32 s1, $0x0;
	_ =	strace $0x9000004A  }
0x3f: {  	s0 =	sadd.s32 @!p0 $0x100000, s0;
	[bflag:$0x2] =	sbarrier.arrive $0xFFFF  }
0x40: {  	[sflag:s0] =	ssyncadd.tile.s32 @!p0 $0x1;
	_ =	shalt  }
.Lfunc_end2:
_tile_overlayer_lowered:
.L_overlay_start_2:
0x41: {  	(tag) =	ssettag $0x2  }
0x42: {  	s0 =	rddreg [dreg:$0x0];
	s2 =	stileid.u32  }
0x43: {  	s1 =	rddreg [dreg:$0x1];
	p0 =	sne.s32 s2, $0x0  }
0x44: {  	s3 =	rddreg [dreg:$0x2];
	[bflag:$0x3] =	sbarrier.arrive $0xFFFF;
	s2 =	simm.s32 @!p0 $0x1C01  }
0x45: {  	[timem:s3], [sflag:s2] =	dma.local @!p0 [hbm:s0], s1  }
0x46: {  	s0 =	simm.s32 @!p0 $0x1  }
0x47: {  	_ =	swait.ge @!p0 [sflag:s0], s1  }
0x48: {  	s1 =	ssub.s32 @!p0 $0x0, s1;
	[sflag:s0] =	ssyncset.done @!p0 $0x0  }
0x49: {  	[sflag:s0] =	ssyncadd.s32 @!p0 s1  }
0x4a: {  	[bflag:$0x3] =	sbarrier.arrive $0xFFFF  }
0x4b: {  	_ =	shalt  }

// kernel: sparse-core-data-format-call.cloned.1.call-start
scs
called_computation_lowered:
.L_overlay_start_0:
0x0: {  	s2 =	sld [smem:$0x3FD9]  }
0x1: {  	s3 =	sld [smem:$0x3FFE];
	_ =	sdelay $0x1  }
0x2: {  	s1 =	srdreg.scid  }
0x3: {  	s0 =	sand.u32 $0x1, s1  }
0x4: {  	s18 =	sshll.u32 s0, $0xA;
	s2 =	sadd.s32 s3, s2  }
0x5: {  	s2 =	sadd.s32 s2, s18  }
0x6: {  	[smem:$0x3FC4] =	sst s2  }
0x7: {  	_ = 	snop  }
0x8: {  	s2 =	sld [smem:$0x3FC7];
	(tm) =	ssettm $0x1  }
0x9: {  	s19 =	sld [smem:$0x3FFB];
	_ =	sdelay $0x3  }
0xa: {  	_ =	strace s19  }
0xb: {  	s3 =	sld [smem:$0x3FFC];
	_ =	sdelay $0x3  }
0xc: {  	_ =	strace s3  }
0xd: {  	s3 =	sld [smem:$0x3FFD];
	_ =	sdelay $0x3  }
0xe: {  	_ =	strace s3  }
0xf: {  	_ =	strace $0x8FFFFFFF  }
0x10: {  	s20 =	sld [smem:$0x3FDB];
	_ =	sdelay $0x1  }
0x11: {  	s4 =	simm.s32 $_scs_section_size  }
0x12: {  	s5 =	simm.s32 $_size__tile_overlayer_lowered;
	s6 =	simm.s32 $_tile_overlayer_lowered  }
0x13: {  	s23 =	simm.s32 $0x1BFF;
	s22 =	sshll.u32 s6, $0x1;
	s3 =	sadd.s32 s4, s20  }
0x14: {  	s7 =	simm.s32 $0x0;
	s21 =	sshll.u32 s5, $0x1;
	s5 =	sadd.s32 s22, s3  }
0x15: {  	[timem:s7], [sflag:s23] =	dma.local [hbm:s5], s21  }
0x16: {  	_ =	swait.ge [sflag:s23], s21  }
0x17: {  	s4 =	ssub.s32 $0x0, s21;
	[sflag:s23] =	ssyncset.done $0x0  }
0x18: {  	[sflag:s23] =	ssyncadd.s32 s4;
	_ =	sdelay $0x1  }
0x19: {  	s24 =	simm.s32 $0x1B8B  }
0x1a: {  	_ =	swait.ge [sflag:s24], $0x1  }
0x1b: {  	[sflag:s24] =	ssyncset.done $0x0  }
0x1c: {  	s26 =	simm.s32 $0x1B8E;
	s25 =	sld [smem:$0x3FFE];
	[sflag:s24] =	ssyncadd.s32 $0xFFFFFFFF  }
0x1d: {  	s27 =	simm.s32 $execute0_lowered;
	[smem:$0x3FD2] =	sst s26  }
0x1e: {  	s5 =	sshll.u32 s27, $0x1;
	_ =	strace $0x80000046;
	[dreg:$0x1] =	wrdreg $0xFFFFFFFF  }
0x1f: {  	s28 =	simm.s32 $_size_execute0_lowered;
	s3 =	sadd.s32 s3, s5;
	[dreg:$0x0] =	wrdreg $0x0  }
0x20: {  	s5 =	sshll.u32 s28, $0x1;
	[dreg:$0x2] =	wrdreg s3  }
0x21: {  	[dreg:$0x3] =	wrdreg s5  }
0x22: {  	[dreg:$0x4] =	wrdreg $0xC0  }
0x23: {  	_ =	task [dreg:s7], $0x5FFFF  }
0x24: {  	[dreg:$0x1] =	wrdreg $0xFFFFFFFF  }
0x25: {  	[dreg:$0x0] =	wrdreg $0x60  }
0x26: {  	[dreg:$0x2] =	wrdreg s2  }
0x27: {  	[dreg:$0x3] =	wrdreg s25  }
0x28: {  	[dreg:$0x4] =	wrdreg $0x9  }
0x29: {  	_ =	task.clear_ibuf [dreg:s7], $0x5FFFF;
	_ =	strace $0x90000046  }
0x2a: {  	s29 =	simm.s32 $0x9;
	_ =	strace $0x80000048  }
0x2b: {  	_ =	swait.ge [sflag:s29], $0x1  }
0x2c: {  	[sflag:s29] =	ssyncadd.s32 $0xFFFFFFFF  }
0x2d: {  	_ =	strace $0x90000048  }
0x2e: {  	_ =	sfence  }
0x2f: {  	s30 =	sld [smem:$0x0];
	_ =	sdelay $0x2  }
0x30: {  	s31 =	sshll.u32 s1, $0xD;
	s1 =	sshrl.u32 s1, $0x2  }
0x31: {  	s3 =	sand.u32 $0x4000, s31;
	s1 =	sadd.s32 s1, s30  }
0x32: {  	s0 =	sor.u32 s3, s0;
	s1 =	sshll.u32 s1, $0x11  }
0x33: {  	s0 =	sor.u32 s1, s0  }
0x34: {  	s0 =	sadd.s32 $0x8F2B, s0  }
0x35: {  	[sflag:s0] =	ssyncadd.remote.s32 $0x1  }
0x36: {  	_ =	sfence.sel $0xFFFF  }
0x37: {  	[dreg:$0x0] =	wrdreg $0xFFFFFFFF;
	(pc) =	sbr.abs _section_cstart, $3  }
0x38: {  	[dreg:$0x1] =	wrdreg $0xFFFFFFFF  }
0x39: {  	_ =	task.clear_ibuf [dreg:s7], $0x2FFFF;
	_ =	strace $0x9FFFFFFF  }
0x3a: {  	(tm) =	ssettm $0x7FFFFFFF  }
0x3b: {  	_ =	shalt  }
tec
execute0_lowered:
.L_overlay_start_1:
0x0: {  	(tag) =	ssettag $0x1  }
0x1: {  	s0 =	stileid.u32;
	s7 =	rddreg [dreg:$0x0]  }
0x2: {  	s1 =	srdreg.scid;
	s4 =	rddreg [dreg:$0x1]  }
0x3: {  	s30 =	simm.s32 $0x2;
	s10 =	simm.s32 $0x0;
	s14 =	simm.s32 $0x0  }
0x4: {  	s15 =	simm.s32 $0x0;
	s11 =	simm.s32 $0x0;
	s13 =	simm.s32 $0x0  }
0x5: {  	s2 =	sand.u32 $0x1, s1;
	s3 =	sshll.u32 s0, $0x7;
	s1 =	rddreg [dreg:$0x2]  }
0x6: {  	_ =	strace $0x80000047;
	s5 =	ssub.s32 $0xC300, s3;
	s6 =	ssub.s32 $0x2, s2  }
.Ltmp0:
0x7: {  	s5 =	sshrl.u32 s5, $0xB;
	s8 =	sshrl.u32 s6, $0x1;
	(pc) =	sbr.rel .LBB1_1-.Ltmp0, $4  }
0x8: {  	s4 =	sadd.s32 $0xC00, s4;
	s9 =	sadd.s32 $0x1, s5;
	s6 =	ssub.s32 s6, s8  }
0x9: {  	s31 =	sshll.u32 s2, $0x4;
	s5 =	simm.s32 $0x1;
	s6 =	smul.u32 s9, s6  }
0xa: {  	s12 =	smov.u32 s3;
	s7 =	sadd.s32 s7, s31;
	[sflag:s5] =	ssyncpa.u1 $0x0  }
0xb: {  	s9 =	simm.s32 $0x0;
	[sflag:s30] =	ssyncpa.u1 $0x0;
	s8 =	sadd.s32 $0x1, s6  }
.LBB1_4:
0xc: {  	s21 =	simm.s32 $0x0  }
.LBB1_8:
0xd: {  	_ =	sdelay $0x3  }
0xe: {  	v6 =	vld [tilespmem:s18+$0xFFFFFFC0];
	[tilespmem:v0+s20+$0x30 ss:$0x1] =	vst.idx.msk @p0 $0xffff, v2  }
0xf: {  	v58 =	vld [tilespmem:s18+$0xFFFFFFD0];
	[tilespmem:v0+s20+$0x40 ss:$0x1] =	vst.idx.msk @p0 $0xffff, v3;
	s21 =	sadd.s32 @p0 $0x80, s21  }
0x10: {  	v59 =	vld [tilespmem:s18+$0xFFFFFFE0];
	[tilespmem:v0+s20+$0x50 ss:$0x1] =	vst.idx.msk @p0 $0xffff, v5;
	s19 =	smov.u32 @p0 s21  }
0x11: {  	v60 =	vld [tilespmem:s18+$0xFFFFFFF0];
	[tilespmem:v0+s20+$0x60 ss:$0x1] =	vst.idx.msk @p0 $0xffff, v4;
	s19 =	sand.u32 $0x3F80, s19  }
0x12: {  	v61 =	vld [tilespmem:s18+$0x0];
	[tilespmem:v0+s19+$0x70 ss:$0x1] =	vst.idx.msk $0xffff, v1  }
0x13: {  	v62 =	vld [tilespmem:s18+$0x10];
	[tilespmem:v0+s19+$0x0 ss:$0x1] =	vst.idx.msk $0xffff, v6  }
0x14: {  	v63 =	vld [tilespmem:s18+$0x20];
	[tilespmem:v0+s19+$0x10 ss:$0x1] =	vst.idx.msk $0xffff, v58  }
0x15: {  	[tilespmem:v0+s19+$0x20 ss:$0x1] =	vst.idx.msk $0xffff, v59  }
0x16: {  	[tilespmem:v0+s19+$0x30 ss:$0x1] =	vst.idx.msk $0xffff, v60  }
0x17: {  	[tilespmem:v0+s19+$0x40 ss:$0x1] =	vst.idx.msk $0xffff, v61  }
0x18: {  	[tilespmem:v0+s19+$0x50 ss:$0x1] =	vst.idx.msk $0xffff, v62  }
0x19: {  	[tilespmem:v0+s19+$0x60 ss:$0x1] =	vst.idx.msk $0xffff, v63  }
.LBB1_9:
0x1a: {  	s18 =	sand.u32 $0x1FFFFFF, s11  }
0x1b: {  	s19 =	smulhi.u32 $0x14F8B59, s18;
	_ =	sdelay $0x1  }
0x1c: {  	s19 =	sshrl.u32 s19, $0x8  }
0x1d: {  	s19 =	smul.u32 $0xC350, s19  }
0x1e: {  	s15 =	smul.u32 $0xC3500, s15  }
0x1f: {  	s18 =	ssub.s32 s18, s19  }
0x20: {  	s15 =	sadd.s32 s4, s15;
	s18 =	sshll.u32 s18, $0x4  }
0x21: {  	s15 =	sadd.s32 s18, s15  }
0x22: {  	[hbm4b:s15+s9] =	stream.linear.scatter [tilespmem:s17], [sflag:$0x2], s16, $0x38;
	[tilespmem:$0x10000] =	vst v63  }
.LBB1_10:
0x23: {  	p0 =	slt.u32 s13, $0x2  }
0x24: {  	p1 =	sgt.s32 @!p0 s14, $0xC2D0  }
0x25: {  	s15 =	smov.u32 s14;
	s16 =	sshra.s32 @!p0 s14, $0x1F;
	p1 =	por !p1, p0  }
0x26: {  	s14 =	sand.u32 @!p0 s16, s14;
	s15 =	simm.s32 @p1 $0xC2D0  }
0x27: {  	s14 =	ssub.s32 @!p0 s15, s14  }
0x28: {  	s14 =	sadd.s32 @!p0 $0xFFFF3D30, s14  }
0x29: {  	s15 =	sshll.u32 @!p0 s14, $0x7  }
0x2a: {  	p1 =	sgt.s32 @!p0 s14, $0x7F;
	s14 =	ssub.s32 @!p0 $0x4000, s15  }
0x2b: {  	s16 =	sadd.s32 $0x800, s12;
	p1 =	por !p1, p0;
	s14 =	sand.u32 @!p0 $0x3FFFFF80, s14  }
0x2c: {  	s14 =	simm.s32 @!p1 $0x0;
	p1 =	sgt.s32 s16, $0xC34F  }
0x2d: {  	s16 =	smov.u32 @p1 s3;
	p1 =	sne.s32 s13, s8  }
.Ltmp1:
0x2e: {  	_ = 	snop;
	(pc) =	sbr.rel @!p1 .LBB1_11-.Ltmp1, $4  }
0x2f: {  	s10 =	sadd.s32 $0x4000, s10;
	s15 =	simm.s32 @!p0 $0x2  }
0x30: {  	_ =	swait.ge @!p0 [sflag:s15], s14;
	s17 =	ssub.s32 @!p0 $0x0, s14;
	s14 =	smov.u32 s11  }
0x31: {  	s13 =	sadd.s32 $0x1, s13;
	s11 =	smov.u32 s12;
	[sflag:s15] =	ssyncset.done @!p0 $0x0  }
0x32: {  	s12 =	smov.u32 s16;
	[sflag:s15] =	ssyncadd.s32 @!p0 s17;
	s15 =	smov.u32 s2  }
.LBB1_1:
0x33: {  	p0 =	sge.u32 s13, s6  }
0x34: {  	p1 =	sgt.s32 @!p0 s12, $0xC2D0  }
0x35: {  	s16 =	smov.u32 s12;
	s17 =	sshra.s32 @!p0 s12, $0x1F;
	p1 =	por !p1, p0  }
0x36: {  	s17 =	sand.u32 @!p0 s17, s12;
	s16 =	simm.s32 @p1 $0xC2D0  }
0x37: {  	s16 =	ssub.s32 @!p0 s16, s17  }
0x38: {  	s31 =	sadd.s32 $0xFFFFFFFF, s13;
	s18 =	sxor.u32 @!p0 $0xFFFFFFFF, s13;
	s16 =	sadd.s32 @!p0 $0xFFFF3D30, s16  }
0x39: {  	s19 =	simm.s32 @!p0 $0x80;
	s20 =	simm.s32 @!p0 $0x100;
	s17 =	sshll.u32 @!p0 s16, $0x7  }
0x3a: {  	p1 =	sgt.s32 @!p0 s16, $0x7F;
	s16 =	ssub.s32 @!p0 $0x4000, s17;
	s17 =	sshll.u32 @!p0 s18, $0xE  }
0x3b: {  	p1 =	por !p1, p0;
	s18 =	sshll.u32 @!p0 s12, $0x5;
	s16 =	sand.u32 @!p0 $0x3FFFFF80, s16  }
0x3c: {  	s17 =	sand.u32 @!p0 $0x4000, s17;
	s18 =	sadd.s32 @!p0 s18, s7;
	s16 =	simm.s32 @!p1 $0x0  }
0x3d: {  	[tilespmem:s17], [sflag:$0x1] =	stream.strided.gather @!p0 [hbm4b:s18+s19], s16, s20, s19, $0x38;
	[tilespmem:$0x10000] =	vst v63  }
0x3e: {  	p0 =	sge.u32 s31, s6  }
.Ltmp2:
0x3f: {  	_ = 	snop;
	(pc) =	sbr.rel @p0 .LBB1_10-.Ltmp2, $1  }
0x40: {  	_ =	sdelay $0x3  }
0x41: {  	p0 =	sgt.s32 s11, $0xC2D0;
	s16 =	smov.u32 s11;
	s17 =	sshra.s32 s11, $0x1F  }
0x42: {  	s16 =	simm.s32 @!p0 $0xC2D0;
	s17 =	sand.u32 s17, s11  }
0x43: {  	s16 =	ssub.s32 s16, s17  }
0x44: {  	s16 =	sadd.s32 $0xFFFF3D30, s16  }
0x45: {  	s30 =	sshll.u32 s16, $0x7  }
0x46: {  	s17 =	ssub.s32 $0x4000, s30  }
0x47: {  	p0 =	sgt.s32 s16, $0x7F;
	s16 =	sand.u32 $0x3FFFFF80, s17;
	s17 =	sadd.s32 $0x80, s11  }
0x48: {  	s16 =	simm.s32 @p0 $0x0;
	p0 =	slt.s32 s17, $0xC350  }
0x49: {  	s17 =	simm.s32 @!p0 $0xC350  }
0x4a: {  	s20 =	ssub.s32 s17, s11  }
0x4b: {  	p0 =	slt.s32 s20, $0x1  }
.Ltmp3:
0x4c: {  	_ = 	snop;
	(pc) =	sbr.rel @p0 .LBB1_9-.Ltmp3, $4  }
0x4d: {  	_ = 	snop  }
0x4e: {  	s19 =	sshll.u32 s13, $0xE;
	_ =	swait.ge [sflag:s5], s16  }
0x4f: {  	s31 =	sand.u32 $0x4000, s19;
	s18 =	ssub.s32 $0x0, s16;
	[sflag:s5] =	ssyncset.done $0x0  }
0x50: {  	s17 =	sor.u32 $0x8000, s31;
	[sflag:s5] =	ssyncadd.s32 s18  }
0x51: {  	p1 =	sne.s32 s20, $0x1  }
.Ltmp4:
0x52: {  	v0 =	vmov s17;
	(pc) =	sbr.rel @!p1 .LBB1_4-.Ltmp4, $4  }
0x53: {  	_ = 	snop  }
0x54: {  	s18 =	sand.u32 $0x4000, s10  }
0x55: {  	s18 =	sor.u32 $0x40, s18  }
0x56: {  	s19 =	simm.s32 $0x0;
	s21 =	sadd.s32 $0xFFFFFFFF, s20;
	p0 =	por $0x0, $0x0;
	v1 =	vld [tilespmem:s18+$0x30]  }
0x57: {  	v4 =	vld [tilespmem:s18+$0xFFFFFFC0]  }
0x58: {  	v6 =	vld [tilespmem:s18+$0xFFFFFFD0]  }
0x59: {  	v7 =	vld [tilespmem:s18+$0xFFFFFFE0];
	p1 =	sne.s32 s21, $0x1  }
.Ltmp5:
0x5a: {  	v2 =	vld [tilespmem:s18+$0xFFFFFFF0];
	s20 =	sand.u32 $0x3F80, s19;
	(pc) =	sbr.rel @!p1 .LBB1_6-.Ltmp5, $4  }
0x5b: {  	v3 =	vld [tilespmem:s18+$0x0];
	[tilespmem:v0+s20+$0x70 ss:$0x1] =	vst.idx.msk $0xffff, v1  }
0x5c: {  	v5 =	vld [tilespmem:s18+$0x10];
	[tilespmem:v0+s20+$0x0 ss:$0x1] =	vst.idx.msk $0xffff, v4  }
0x5d: {  	v4 =	vld [tilespmem:s18+$0x20];
	[tilespmem:v0+s20+$0x10 ss:$0x1] =	vst.idx.msk $0xffff, v6;
	s18 =	sadd.s32 $0x80, s18  }
0x5e: {  	s22 =	sadd.s32 $0xFFFFFFFF, s21;
	p0 =	por $0x1, $0x1;
	s21 =	simm.s32 $0x0;
	[tilespmem:v0+s20+$0x20 ss:$0x1] =	vst.idx.msk $0xffff, v7;
	v1 =	vld [tilespmem:s18+$0x30]  }
.LBB1_7:
0x5f: {  	p1 =	sne.s32 s22, $0x1;
	v6 =	vld [tilespmem:s18+$0xFFFFFFC0];
	[tilespmem:v0+s20+$0x30 ss:$0x1] =	vst.idx.msk $0xffff, v2  }
0x60: {  	v7 =	vld [tilespmem:s18+$0xFFFFFFD0];
	[tilespmem:v0+s20+$0x40 ss:$0x1] =	vst.idx.msk $0xffff, v3  }
0x61: {  	s21 =	sadd.s32 $0x80, s21;
	v8 =	vld [tilespmem:s18+$0xFFFFFFE0];
	[tilespmem:v0+s20+$0x50 ss:$0x1] =	vst.idx.msk $0xffff, v5  }
.Ltmp6:
0x62: {  	v2 =	vld [tilespmem:s18+$0xFFFFFFF0];
	[tilespmem:v0+s20+$0x60 ss:$0x1] =	vst.idx.msk $0xffff, v4;
	s20 =	sand.u32 $0x3F80, s21;
	(pc) =	sbr.rel @p1 .LBB1_7-.Ltmp6, $4  }
0x63: {  	v3 =	vld [tilespmem:s18+$0x0];
	[tilespmem:v0+s20+$0x70 ss:$0x1] =	vst.idx.msk $0xffff, v1  }
0x64: {  	[tilespmem:v0+s20+$0x0 ss:$0x1] =	vst.idx.msk $0xffff, v6;
	v5 =	vld [tilespmem:s18+$0x10]  }
0x65: {  	[tilespmem:v0+s20+$0x10 ss:$0x1] =	vst.idx.msk $0xffff, v7;
	v4 =	vld [tilespmem:s18+$0x20];
	s18 =	sadd.s32 $0x80, s18  }
0x66: {  	s22 =	sadd.s32 $0xFFFFFFFF, s22;
	v1 =	vld [tilespmem:s18+$0x30];
	[tilespmem:v0+s20+$0x20 ss:$0x1] =	vst.idx.msk $0xffff, v8  }
.Ltmp7:
0x67: {  	_ = 	snop;
	(pc) =	sbr.rel .LBB1_8-.Ltmp7, $1  }
0x68: {  	_ =	sdelay $0x3  }
.LBB1_6:
.Ltmp8:
0x69: {  	(pc) =	sbr.rel .LBB1_8-.Ltmp8, $2  }
0x6a: {  	_ =	sdelay $0x2  }
0x6b: {  	s21 =	simm.s32 $0x0  }
.LBB1_11:
0x6c: {  	_ =	sfence.sel $0x180000  }
0x6d: {  	s2 =	simm.s32 $0x1;
	[bflag:$0x0] =	sbarrier.arrive $0xFFFF  }
0x6e: {  	s31 =	simm.s32 $0x2;
	[sflag:s2] =	ssyncpa.u1 $0x1  }
0x6f: {  	[sflag:s31] =	ssyncpa.u1 $0x1  }
0x70: {  	p0 =	sne.s32 s0, $0x0;
	_ =	strace $0x90000047  }
0x71: {  	s0 =	sadd.s32 @!p0 $0x100000, s1;
	[bflag:$0x2] =	sbarrier.arrive $0xFFFF  }
0x72: {  	[sflag:s0] =	ssyncadd.tile.s32 @!p0 $0x1;
	_ =	shalt  }
.Lfunc_end1:
_tile_overlayer_lowered:
.L_overlay_start_2:
0x73: {  	(tag) =	ssettag $0x2  }
0x74: {  	s0 =	rddreg [dreg:$0x0];
	s2 =	stileid.u32  }
0x75: {  	s1 =	rddreg [dreg:$0x1];
	p0 =	sne.s32 s2, $0x0  }
0x76: {  	s3 =	rddreg [dreg:$0x2];
	[bflag:$0x3] =	sbarrier.arrive $0xFFFF;
	s2 =	simm.s32 @!p0 $0x1C01  }
0x77: {  	[timem:s3], [sflag:s2] =	dma.local @!p0 [hbm:s0], s1  }
0x78: {  	s0 =	simm.s32 @!p0 $0x1  }
0x79: {  	_ =	swait.ge @!p0 [sflag:s0], s1  }
0x7a: {  	s1 =	ssub.s32 @!p0 $0x0, s1;
	[sflag:s0] =	ssyncset.done @!p0 $0x0  }
0x7b: {  	[sflag:s0] =	ssyncadd.s32 @!p0 s1  }
0x7c: {  	[bflag:$0x3] =	sbarrier.arrive $0xFFFF  }
0x7d: {  	_ =	shalt  }

</sc_bundles>
